<compile_context>
chip_gen: v7x
topology: tpu7x:2x2x1
jax: 0.10.2.dev20260603
libtpu: 0.0.44.dev20260713+nightly
codegen_flags: <defaults>
</compile_context>

<pallas_src>
import functools

import jax
import jax.numpy as jnp
from jax import lax
from jax.experimental import pallas as pl
from jax.experimental.pallas import tpu as pltpu
from jax.experimental.pallas import tpu_sc as plsc

N = 10000
D = 128
E = 320000

NC = 2
NS = 16
NW = NC * NS

CHUNK = 128
CHUNKS_PER_TILE = 80
N_PASS = 2
CHUNKS_PER_PASS = CHUNKS_PER_TILE // N_PASS
E_PAD = NW * CHUNKS_PER_TILE * CHUNK
ROWS2 = E_PAD // CHUNK

ACC_ROWS = N
ZROWS = 632
COPY_ROWS = 632


def _sc_agg_build():
  mesh = plsc.VectorSubcoreMesh(core_axis_name="c", subcore_axis_name="s")

  @functools.partial(
      pl.kernel,
      mesh=mesh,
      out_type=jax.ShapeDtypeStruct((NC, N, D), jnp.float32),
      scratch_types=[
          pltpu.VMEM((CHUNKS_PER_PASS, CHUNK), jnp.int32),
          pltpu.VMEM((CHUNKS_PER_PASS, CHUNK), jnp.int32),
          pltpu.VMEM((CHUNK, D), jnp.float32),
          pltpu.VMEM((CHUNK, D), jnp.float32),
          pltpu.VMEM_SHARED((ACC_ROWS, D), jnp.float32),
          pltpu.SemaphoreType.DMA,
          pltpu.SemaphoreType.DMA,
      ],
  )
  def sc_agg(x_hbm, src_hbm, dst_hbm, out_hbm, srcb, dstb, rows0, rows1,
             acc, sem0, sem1):
    cid = lax.axis_index("c")
    sid = lax.axis_index("s")
    wid = cid * NS + sid

    def zero_row(i, _):
      for j in range(D // 16):
        rows0[i, pl.ds(j * 16, 16)] = jnp.zeros((16,), jnp.float32)
      return 0
    lax.fori_loop(0, CHUNK, zero_row, 0)

    zrow0 = jnp.minimum(sid * ZROWS, ACC_ROWS - ZROWS)
    n_zc = ZROWS // CHUNK
    zr = ZROWS - n_zc * CHUNK
    for z in range(n_zc):
      pltpu.sync_copy(rows0, acc.at[pl.ds(zrow0 + z * CHUNK, CHUNK)])
    if zr:
      pltpu.sync_copy(rows0.at[pl.ds(0, zr)],
                      acc.at[pl.ds(zrow0 + n_zc * CHUNK, zr)])
    plsc.subcore_barrier()

    n_iter = CHUNKS_PER_PASS // 2
    for p in range(N_PASS):
      row_base = wid * CHUNKS_PER_TILE + p * CHUNKS_PER_PASS
      pltpu.sync_copy(src_hbm.at[pl.ds(row_base, CHUNKS_PER_PASS)], srcb)
      pltpu.sync_copy(dst_hbm.at[pl.ds(row_base, CHUNKS_PER_PASS)], dstb)
      pltpu.async_copy(x_hbm.at[srcb.at[0]], rows0, sem0)

      def body(i, _):
        t0 = 2 * i
        pltpu.async_copy(x_hbm.at[srcb.at[t0 + 1]], rows1, sem1)
        pltpu.make_async_copy(x_hbm.at[srcb.at[t0]], rows0, sem0).wait()
        pltpu.sync_copy(rows0, acc.at[dstb.at[t0]], add=True)

        @pl.when(i < n_iter - 1)
        def _():
          pltpu.async_copy(x_hbm.at[srcb.at[t0 + 2]], rows0, sem0)

        pltpu.make_async_copy(x_hbm.at[srcb.at[t0 + 1]], rows1, sem1).wait()
        pltpu.sync_copy(rows1, acc.at[dstb.at[t0 + 1]], add=True)
        return 0
      lax.fori_loop(0, n_iter, body, 0)

    plsc.subcore_barrier()

    crow0 = jnp.minimum(sid * COPY_ROWS, N - COPY_ROWS)
    pltpu.sync_copy(acc.at[pl.ds(crow0, COPY_ROWS)],
                    out_hbm.at[cid, pl.ds(crow0, COPY_ROWS)])

  return sc_agg


_sc_agg = _sc_agg_build()

ROW_BLK = 1000


def _mlp_body(x_ref, a0_ref, a1_ref, w1_ref, b1_ref, w2_ref, b2_ref, o_ref):
  h = x_ref[...] + a0_ref[...] + a1_ref[...]
  h = jnp.dot(h, w1_ref[...], preferred_element_type=jnp.float32) + b1_ref[...]
  h = jnp.where(h > 0, h, jnp.exp(h) - 1.0)
  o_ref[...] = (
      jnp.dot(h, w2_ref[...], preferred_element_type=jnp.float32) + b2_ref[...]
  )


def _mlp(x, a0, a1, W1, b1, W2, b2):
  grid = (N // ROW_BLK,)
  row_spec = pl.BlockSpec((ROW_BLK, D), lambda i: (i, 0))
  full_spec = pl.BlockSpec((D, D), lambda i: (0, 0))
  bias_spec = pl.BlockSpec((1, D), lambda i: (0, 0))
  return pl.pallas_call(
      _mlp_body,
      grid=grid,
      in_specs=[row_spec, row_spec, row_spec, full_spec, bias_spec,
                full_spec, bias_spec],
      out_specs=row_spec,
      out_shape=jax.ShapeDtypeStruct((N, D), jnp.float32),
  )(x, a0, a1, W1, b1.reshape(1, D), W2, b2.reshape(1, D))


@jax.jit
def kernel(x, edge_index, W1, b1, W2, b2):
  ei = edge_index.astype(jnp.int32)
  pad = E_PAD - E
  xp = jnp.concatenate([x, jnp.zeros((CHUNK, D), jnp.float32)])
  srcp = jnp.concatenate(
      [ei[0], N + (jnp.arange(pad, dtype=jnp.int32) % CHUNK)])
  dstp = jnp.concatenate([ei[1], jnp.arange(pad, dtype=jnp.int32)])
  agg2 = _sc_agg(xp, srcp.reshape(ROWS2, CHUNK), dstp.reshape(ROWS2, CHUNK))
  return _mlp(x, agg2[0], agg2[1], W1, b1, W2, b2)

# --- scband reference (transcript-rebuilt; emitter-appended) ---
"""Pipeline reference for scband-ginconv-9938554323125 (READ-ONLY COPY).

The authoritative reference and input builder live on the scoring server;
editing this copy changes nothing except your own understanding.
"""

import jax, jax.numpy as jnp
import numpy as np

N = 10000
E = 320000
D_IN = 128
D_OUT = 128


def setup_inputs(seed: int = 0) -> dict:
    key = jax.random.key(seed)
    ks = jax.random.split(key, 6)
    x = jax.random.normal(ks[0], (N, D_IN), dtype=jnp.float32)
    edge_index = jax.random.randint(ks[1], (2, E), 0, N)
    W1 = jax.random.normal(ks[2], (D_IN, D_OUT), dtype=jnp.float32) * 0.05
    b1 = jnp.zeros((D_OUT,), dtype=jnp.float32)
    W2 = jax.random.normal(ks[3], (D_OUT, D_OUT), dtype=jnp.float32) * 0.05
    b2 = jnp.zeros((D_OUT,), dtype=jnp.float32)
    return {"x": x, "edge_index": edge_index, "W1": W1, "b1": b1, "W2": W2, "b2": b2}


def reference(x, edge_index, W1, b1, W2, b2):
    # GINConv (eps=0): out = MLP(x + sum_{j in N(i)} x_j)
    src = edge_index[0]
    dst = edge_index[1]
    msgs = jnp.take(x, src, axis=0)
    agg = jax.ops.segment_sum(msgs, dst, num_segments=x.shape[0])
    h = x + agg
    h = h @ W1 + b1
    h = jax.nn.elu(h)
    out = h @ W2 + b2
    return out

if __name__ == "__main__":
    import jax
    _d = setup_inputs()
    print(jax.jit(kernel)(*tuple(_d.values())))

</pallas_src>

<mosaic_0001>
#map = affine_map<(d0, d1) -> (0, 0)>
#map1 = affine_map<(d0, d1) -> (0, 0, 0)>
module attributes {stable_mosaic.version = 14 : i64} {
  func.func @sc_agg(%arg0: i32, %arg1: i32, %arg2: memref<10128x128xf32, #tpu.memory_space<hbm>>, %arg3: memref<2560x128xi32, #tpu.memory_space<hbm>>, %arg4: memref<2560x128xi32, #tpu.memory_space<hbm>>, %arg5: memref<2x10000x128xf32, #tpu.memory_space<hbm>>, %arg6: memref<40x128xi32, #tpu.memory_space<vmem>>, %arg7: memref<40x128xi32, #tpu.memory_space<vmem>>, %arg8: memref<128x128xf32, #tpu.memory_space<vmem>>, %arg9: memref<128x128xf32, #tpu.memory_space<vmem>>, %arg10: memref<10000x128xf32, #tpu.memory_space<vmem_shared>>, %arg11: memref<!tpu.dma_semaphore, #tpu.memory_space<semaphore_mem>>, %arg12: memref<!tpu.dma_semaphore, #tpu.memory_space<semaphore_mem>>) attributes {dimension_semantics = [#tpu.dimension_semantics<core_parallel>, #tpu.dimension_semantics<subcore_parallel>], iteration_bounds = array<i64: 2, 16>, scalar_prefetch = 0 : i64, scratch_operands = 7 : i64, tpu.core_type = #tpu.core_type<sc_vector_subcore>, window_params = [{transform_indices = #map}, {transform_indices = #map}, {transform_indices = #map}, {transform_indices = #map1}]} {
    %mul3A = arith.constant 16 : i32
    %mul3A_0 = arith.muli %arg0, %mul3A : i32
    %add3A = arith.addi %mul3A_0, %arg1 : i32
    %scan3A = arith.constant 0 : i32
    %scan3A_1 = arith.constant 0 : i32
    %scan3A_2 = arith.constant 128 : i32
    %scan3A_3 = arith.addi %scan3A_1, %scan3A_2 : i32
    %scan3A_4 = arith.constant 1 : i32
    %scan3A_5 = scf.for %scan3A_60 = %scan3A_1 to %scan3A_3 step %scan3A_4 iter_args(%scan3A_61 = %scan3A) -> (i32)  : i32 {
      %broadcast_in_dim3A = arith.constant 0.000000e+00 : f32
      %broadcast_in_dim3A_62 = vector.broadcast %broadcast_in_dim3A : f32 to vector<16xf32>
      %swap3A = arith.index_cast %scan3A_60 : i32 to index
      %swap3A_63 = arith.constant 0 : index
      %swap3A_64 = tpu.vector_load %arg8[%swap3A, %swap3A_63] {strides = array<i32>} : memref<128x128xf32, #tpu.memory_space<vmem>>, vector<1x16xf32>,
      %swap3A_65 = vector.shape_cast %swap3A_64 : vector<1x16xf32> to vector<16xf32>
      %swap3A_66 = vector.shape_cast %broadcast_in_dim3A_62 : vector<16xf32> to vector<1x16xf32>
      tpu.vector_store %arg8[%swap3A, %swap3A_63], %swap3A_66 {strides = array<i32>} : memref<128x128xf32, #tpu.memory_space<vmem>>, vector<1x16xf32>,
      %broadcast_in_dim3A_67 = arith.constant 0.000000e+00 : f32
      %broadcast_in_dim3A_68 = vector.broadcast %broadcast_in_dim3A_67 : f32 to vector<16xf32>
      %swap3A_69 = arith.index_cast %scan3A_60 : i32 to index
      %swap3A_70 = arith.constant 16 : index
      %swap3A_71 = tpu.vector_load %arg8[%swap3A_69, %swap3A_70] {strides = array<i32>} : memref<128x128xf32, #tpu.memory_space<vmem>>, vector<1x16xf32>,
      %swap3A_72 = vector.shape_cast %swap3A_71 : vector<1x16xf32> to vector<16xf32>
      %swap3A_73 = vector.shape_cast %broadcast_in_dim3A_68 : vector<16xf32> to vector<1x16xf32>
      tpu.vector_store %arg8[%swap3A_69, %swap3A_70], %swap3A_73 {strides = array<i32>} : memref<128x128xf32, #tpu.memory_space<vmem>>, vector<1x16xf32>,
      %broadcast_in_dim3A_74 = arith.constant 0.000000e+00 : f32
      %broadcast_in_dim3A_75 = vector.broadcast %broadcast_in_dim3A_74 : f32 to vector<16xf32>
      %swap3A_76 = arith.index_cast %scan3A_60 : i32 to index
      %swap3A_77 = arith.constant 32 : index
      %swap3A_78 = tpu.vector_load %arg8[%swap3A_76, %swap3A_77] {strides = array<i32>} : memref<128x128xf32, #tpu.memory_space<vmem>>, vector<1x16xf32>,
      %swap3A_79 = vector.shape_cast %swap3A_78 : vector<1x16xf32> to vector<16xf32>
      %swap3A_80 = vector.shape_cast %broadcast_in_dim3A_75 : vector<16xf32> to vector<1x16xf32>
      tpu.vector_store %arg8[%swap3A_76, %swap3A_77], %swap3A_80 {strides = array<i32>} : memref<128x128xf32, #tpu.memory_space<vmem>>, vector<1x16xf32>,
      %broadcast_in_dim3A_81 = arith.constant 0.000000e+00 : f32
      %broadcast_in_dim3A_82 = vector.broadcast %broadcast_in_dim3A_81 : f32 to vector<16xf32>
      %swap3A_83 = arith.index_cast %scan3A_60 : i32 to index
      %swap3A_84 = arith.constant 48 : index
      %swap3A_85 = tpu.vector_load %arg8[%swap3A_83, %swap3A_84] {strides = array<i32>} : memref<128x128xf32, #tpu.memory_space<vmem>>, vector<1x16xf32>,
      %swap3A_86 = vector.shape_cast %swap3A_85 : vector<1x16xf32> to vector<16xf32>
      %swap3A_87 = vector.shape_cast %broadcast_in_dim3A_82 : vector<16xf32> to vector<1x16xf32>
      tpu.vector_store %arg8[%swap3A_83, %swap3A_84], %swap3A_87 {strides = array<i32>} : memref<128x128xf32, #tpu.memory_space<vmem>>, vector<1x16xf32>,
      %broadcast_in_dim3A_88 = arith.constant 0.000000e+00 : f32
      %broadcast_in_dim3A_89 = vector.broadcast %broadcast_in_dim3A_88 : f32 to vector<16xf32>
      %swap3A_90 = arith.index_cast %scan3A_60 : i32 to index
      %swap3A_91 = arith.constant 64 : index
      %swap3A_92 = tpu.vector_load %arg8[%swap3A_90, %swap3A_91] {strides = array<i32>} : memref<128x128xf32, #tpu.memory_space<vmem>>, vector<1x16xf32>,
      %swap3A_93 = vector.shape_cast %swap3A_92 : vector<1x16xf32> to vector<16xf32>
      %swap3A_94 = vector.shape_cast %broadcast_in_dim3A_89 : vector<16xf32> to vector<1x16xf32>
      tpu.vector_store %arg8[%swap3A_90, %swap3A_91], %swap3A_94 {strides = array<i32>} : memref<128x128xf32, #tpu.memory_space<vmem>>, vector<1x16xf32>,
      %broadcast_in_dim3A_95 = arith.constant 0.000000e+00 : f32
      %broadcast_in_dim3A_96 = vector.broadcast %broadcast_in_dim3A_95 : f32 to vector<16xf32>
      %swap3A_97 = arith.index_cast %scan3A_60 : i32 to index
      %swap3A_98 = arith.constant 80 : index
      %swap3A_99 = tpu.vector_load %arg8[%swap3A_97, %swap3A_98] {strides = array<i32>} : memref<128x128xf32, #tpu.memory_space<vmem>>, vector<1x16xf32>,
      %swap3A_100 = vector.shape_cast %swap3A_99 : vector<1x16xf32> to vector<16xf32>
      %swap3A_101 = vector.shape_cast %broadcast_in_dim3A_96 : vector<16xf32> to vector<1x16xf32>
      tpu.vector_store %arg8[%swap3A_97, %swap3A_98], %swap3A_101 {strides = array<i32>} : memref<128x128xf32, #tpu.memory_space<vmem>>, vector<1x16xf32>,
      %broadcast_in_dim3A_102 = arith.constant 0.000000e+00 : f32
      %broadcast_in_dim3A_103 = vector.broadcast %broadcast_in_dim3A_102 : f32 to vector<16xf32>
      %swap3A_104 = arith.index_cast %scan3A_60 : i32 to index
      %swap3A_105 = arith.constant 96 : index
      %swap3A_106 = tpu.vector_load %arg8[%swap3A_104, %swap3A_105] {strides = array<i32>} : memref<128x128xf32, #tpu.memory_space<vmem>>, vector<1x16xf32>,
      %swap3A_107 = vector.shape_cast %swap3A_106 : vector<1x16xf32> to vector<16xf32>
      %swap3A_108 = vector.shape_cast %broadcast_in_dim3A_103 : vector<16xf32> to vector<1x16xf32>
      tpu.vector_store %arg8[%swap3A_104, %swap3A_105], %swap3A_108 {strides = array<i32>} : memref<128x128xf32, #tpu.memory_space<vmem>>, vector<1x16xf32>,
      %broadcast_in_dim3A_109 = arith.constant 0.000000e+00 : f32
      %broadcast_in_dim3A_110 = vector.broadcast %broadcast_in_dim3A_109 : f32 to vector<16xf32>
      %swap3A_111 = arith.index_cast %scan3A_60 : i32 to index
      %swap3A_112 = arith.constant 112 : index
      %swap3A_113 = tpu.vector_load %arg8[%swap3A_111, %swap3A_112] {strides = array<i32>} : memref<128x128xf32, #tpu.memory_space<vmem>>, vector<1x16xf32>,
      %swap3A_114 = vector.shape_cast %swap3A_113 : vector<1x16xf32> to vector<16xf32>
      %swap3A_115 = vector.shape_cast %broadcast_in_dim3A_110 : vector<16xf32> to vector<1x16xf32>
      tpu.vector_store %arg8[%swap3A_111, %swap3A_112], %swap3A_115 {strides = array<i32>} : memref<128x128xf32, #tpu.memory_space<vmem>>, vector<1x16xf32>,
      %scan3A_116 = arith.constant 0 : i32
      scf.yield %scan3A_116 : i32
    }
    %scan3A_6 = arith.constant 128 : i32
    %mul3A_7 = arith.constant 632 : i32
    %mul3A_8 = arith.muli %arg1, %mul3A_7 : i32
    %min3A = arith.constant 9368 : i32
    %min3A_9 = arith.minsi %mul3A_8, %min3A : i32
    %add3A_10 = arith.constant 0 : i32
    %add3A_11 = arith.addi %min3A_9, %add3A_10 : i32
    "tpu.region"() ({
      %run_scoped3A = tpu.sem_alloc : memref<!tpu.dma_semaphore, #tpu.memory_space<semaphore_mem>>
      %dma_start3A_60 = arith.constant 0 : i32
      %dma_start3A_61 = tpu.memref_slice %arg10[%add3A_11, %dma_start3A_60] : memref<10000x128xf32, #tpu.memory_space<vmem_shared>> -> memref<128x128xf32, #tpu.memory_space<vmem_shared>>
      %dma_start3A_62 = arith.constant 0 : i32
      %dma_start3A_63 = tpu.memref_slice %arg10[%add3A_11, %dma_start3A_62] : memref<10000x128xf32, #tpu.memory_space<vmem_shared>> -> memref<128x128xf32, #tpu.memory_space<vmem_shared>>
      tpu.enqueue_dma source(%arg8 : memref<128x128xf32, #tpu.memory_space<vmem>>) target(%dma_start3A_63 : memref<128x128xf32, #tpu.memory_space<vmem_shared>>) target_semaphore(%run_scoped3A : memref<!tpu.dma_semaphore, #tpu.memory_space<semaphore_mem>>)
      %dma_wait3A = arith.constant 0 : i32
      %dma_wait3A_64 = tpu.memref_slice %arg10[%add3A_11, %dma_wait3A] : memref<10000x128xf32, #tpu.memory_space<vmem_shared>> -> memref<128x128xf32, #tpu.memory_space<vmem_shared>>
      %dma_wait3A_65 = arith.constant 0 : i32
      %dma_wait3A_66 = tpu.memref_slice %arg10[%add3A_11, %dma_wait3A_65] : memref<10000x128xf32, #tpu.memory_space<vmem_shared>> -> memref<128x128xf32, #tpu.memory_space<vmem_shared>>
      tpu.wait_dma2 semaphore(%run_scoped3A : memref<!tpu.dma_semaphore, #tpu.memory_space<semaphore_mem>>) src(%arg8 : memref<128x128xf32, #tpu.memory_space<vmem>>) dst(%dma_wait3A_66 : memref<128x128xf32, #tpu.memory_space<vmem_shared>>)
      tpu.yield
    }) : () -> ()
    %add3A_12 = arith.constant 128 : i32
    %add3A_13 = arith.addi %min3A_9, %add3A_12 : i32
    "tpu.region"() ({
      %run_scoped3A = tpu.sem_alloc : memref<!tpu.dma_semaphore, #tpu.memory_space<semaphore_mem>>
      %dma_start3A_60 = arith.constant 0 : i32
      %dma_start3A_61 = tpu.memref_slice %arg10[%add3A_13, %dma_start3A_60] : memref<10000x128xf32, #tpu.memory_space<vmem_shared>> -> memref<128x128xf32, #tpu.memory_space<vmem_shared>>
      %dma_start3A_62 = arith.constant 0 : i32
      %dma_start3A_63 = tpu.memref_slice %arg10[%add3A_13, %dma_start3A_62] : memref<10000x128xf32, #tpu.memory_space<vmem_shared>> -> memref<128x128xf32, #tpu.memory_space<vmem_shared>>
      tpu.enqueue_dma source(%arg8 : memref<128x128xf32, #tpu.memory_space<vmem>>) target(%dma_start3A_63 : memref<128x128xf32, #tpu.memory_space<vmem_shared>>) target_semaphore(%run_scoped3A : memref<!tpu.dma_semaphore, #tpu.memory_space<semaphore_mem>>)
      %dma_wait3A = arith.constant 0 : i32
      %dma_wait3A_64 = tpu.memref_slice %arg10[%add3A_13, %dma_wait3A] : memref<10000x128xf32, #tpu.memory_space<vmem_shared>> -> memref<128x128xf32, #tpu.memory_space<vmem_shared>>
      %dma_wait3A_65 = arith.constant 0 : i32
      %dma_wait3A_66 = tpu.memref_slice %arg10[%add3A_13, %dma_wait3A_65] : memref<10000x128xf32, #tpu.memory_space<vmem_shared>> -> memref<128x128xf32, #tpu.memory_space<vmem_shared>>
      tpu.wait_dma2 semaphore(%run_scoped3A : memref<!tpu.dma_semaphore, #tpu.memory_space<semaphore_mem>>) src(%arg8 : memref<128x128xf32, #tpu.memory_space<vmem>>) dst(%dma_wait3A_66 : memref<128x128xf32, #tpu.memory_space<vmem_shared>>)
      tpu.yield
    }) : () -> ()
    %add3A_14 = arith.constant 256 : i32
    %add3A_15 = arith.addi %min3A_9, %add3A_14 : i32
    "tpu.region"() ({
      %run_scoped3A = tpu.sem_alloc : memref<!tpu.dma_semaphore, #tpu.memory_space<semaphore_mem>>
      %dma_start3A_60 = arith.constant 0 : i32
      %dma_start3A_61 = tpu.memref_slice %arg10[%add3A_15, %dma_start3A_60] : memref<10000x128xf32, #tpu.memory_space<vmem_shared>> -> memref<128x128xf32, #tpu.memory_space<vmem_shared>>
      %dma_start3A_62 = arith.constant 0 : i32
      %dma_start3A_63 = tpu.memref_slice %arg10[%add3A_15, %dma_start3A_62] : memref<10000x128xf32, #tpu.memory_space<vmem_shared>> -> memref<128x128xf32, #tpu.memory_space<vmem_shared>>
      tpu.enqueue_dma source(%arg8 : memref<128x128xf32, #tpu.memory_space<vmem>>) target(%dma_start3A_63 : memref<128x128xf32, #tpu.memory_space<vmem_shared>>) target_semaphore(%run_scoped3A : memref<!tpu.dma_semaphore, #tpu.memory_space<semaphore_mem>>)
      %dma_wait3A = arith.constant 0 : i32
      %dma_wait3A_64 = tpu.memref_slice %arg10[%add3A_15, %dma_wait3A] : memref<10000x128xf32, #tpu.memory_space<vmem_shared>> -> memref<128x128xf32, #tpu.memory_space<vmem_shared>>
      %dma_wait3A_65 = arith.constant 0 : i32
      %dma_wait3A_66 = tpu.memref_slice %arg10[%add3A_15, %dma_wait3A_65] : memref<10000x128xf32, #tpu.memory_space<vmem_shared>> -> memref<128x128xf32, #tpu.memory_space<vmem_shared>>
      tpu.wait_dma2 semaphore(%run_scoped3A : memref<!tpu.dma_semaphore, #tpu.memory_space<semaphore_mem>>) src(%arg8 : memref<128x128xf32, #tpu.memory_space<vmem>>) dst(%dma_wait3A_66 : memref<128x128xf32, #tpu.memory_space<vmem_shared>>)
      tpu.yield
    }) : () -> ()
    %add3A_16 = arith.constant 384 : i32
    %add3A_17 = arith.addi %min3A_9, %add3A_16 : i32
    "tpu.region"() ({
      %run_scoped3A = tpu.sem_alloc : memref<!tpu.dma_semaphore, #tpu.memory_space<semaphore_mem>>
      %dma_start3A_60 = arith.constant 0 : i32
      %dma_start3A_61 = tpu.memref_slice %arg10[%add3A_17, %dma_start3A_60] : memref<10000x128xf32, #tpu.memory_space<vmem_shared>> -> memref<128x128xf32, #tpu.memory_space<vmem_shared>>
      %dma_start3A_62 = arith.constant 0 : i32
      %dma_start3A_63 = tpu.memref_slice %arg10[%add3A_17, %dma_start3A_62] : memref<10000x128xf32, #tpu.memory_space<vmem_shared>> -> memref<128x128xf32, #tpu.memory_space<vmem_shared>>
      tpu.enqueue_dma source(%arg8 : memref<128x128xf32, #tpu.memory_space<vmem>>) target(%dma_start3A_63 : memref<128x128xf32, #tpu.memory_space<vmem_shared>>) target_semaphore(%run_scoped3A : memref<!tpu.dma_semaphore, #tpu.memory_space<semaphore_mem>>)
      %dma_wait3A = arith.constant 0 : i32
      %dma_wait3A_64 = tpu.memref_slice %arg10[%add3A_17, %dma_wait3A] : memref<10000x128xf32, #tpu.memory_space<vmem_shared>> -> memref<128x128xf32, #tpu.memory_space<vmem_shared>>
      %dma_wait3A_65 = arith.constant 0 : i32
      %dma_wait3A_66 = tpu.memref_slice %arg10[%add3A_17, %dma_wait3A_65] : memref<10000x128xf32, #tpu.memory_space<vmem_shared>> -> memref<128x128xf32, #tpu.memory_space<vmem_shared>>
      tpu.wait_dma2 semaphore(%run_scoped3A : memref<!tpu.dma_semaphore, #tpu.memory_space<semaphore_mem>>) src(%arg8 : memref<128x128xf32, #tpu.memory_space<vmem>>) dst(%dma_wait3A_66 : memref<128x128xf32, #tpu.memory_space<vmem_shared>>)
      tpu.yield
    }) : () -> ()
    %add3A_18 = arith.constant 512 : i32
    %add3A_19 = arith.addi %min3A_9, %add3A_18 : i32
    "tpu.region"() ({
      %run_scoped3A = tpu.sem_alloc : memref<!tpu.dma_semaphore, #tpu.memory_space<semaphore_mem>>
      %dma_start3A_60 = arith.constant 0 : i32
      %dma_start3A_61 = arith.constant 0 : i32
      %dma_start3A_62 = tpu.memref_slice %arg8[%dma_start3A_60, %dma_start3A_61] : memref<128x128xf32, #tpu.memory_space<vmem>> -> memref<120x128xf32, #tpu.memory_space<vmem>>
      %dma_start3A_63 = arith.constant 0 : i32
      %dma_start3A_64 = tpu.memref_slice %arg10[%add3A_19, %dma_start3A_63] : memref<10000x128xf32, #tpu.memory_space<vmem_shared>> -> memref<120x128xf32, #tpu.memory_space<vmem_shared>>
      %dma_start3A_65 = arith.constant 0 : i32
      %dma_start3A_66 = tpu.memref_slice %arg10[%add3A_19, %dma_start3A_65] : memref<10000x128xf32, #tpu.memory_space<vmem_shared>> -> memref<120x128xf32, #tpu.memory_space<vmem_shared>>
      %dma_start3A_67 = arith.constant 0 : i32
      %dma_start3A_68 = arith.constant 0 : i32
      %dma_start3A_69 = tpu.memref_slice %arg8[%dma_start3A_67, %dma_start3A_68] : memref<128x128xf32, #tpu.memory_space<vmem>> -> memref<120x128xf32, #tpu.memory_space<vmem>>
      tpu.enqueue_dma source(%dma_start3A_69 : memref<120x128xf32, #tpu.memory_space<vmem>>) target(%dma_start3A_66 : memref<120x128xf32, #tpu.memory_space<vmem_shared>>) target_semaphore(%run_scoped3A : memref<!tpu.dma_semaphore, #tpu.memory_space<semaphore_mem>>)
      %dma_wait3A = arith.constant 0 : i32
      %dma_wait3A_70 = arith.constant 0 : i32
      %dma_wait3A_71 = tpu.memref_slice %arg8[%dma_wait3A, %dma_wait3A_70] : memref<128x128xf32, #tpu.memory_space<vmem>> -> memref<120x128xf32, #tpu.memory_space<vmem>>
      %dma_wait3A_72 = arith.constant 0 : i32
      %dma_wait3A_73 = tpu.memref_slice %arg10[%add3A_19, %dma_wait3A_72] : memref<10000x128xf32, #tpu.memory_space<vmem_shared>> -> memref<120x128xf32, #tpu.memory_space<vmem_shared>>
      %dma_wait3A_74 = arith.constant 0 : i32
      %dma_wait3A_75 = tpu.memref_slice %arg10[%add3A_19, %dma_wait3A_74] : memref<10000x128xf32, #tpu.memory_space<vmem_shared>> -> memref<120x128xf32, #tpu.memory_space<vmem_shared>>
      %dma_wait3A_76 = arith.constant 0 : i32
      %dma_wait3A_77 = arith.constant 0 : i32
      %dma_wait3A_78 = tpu.memref_slice %arg8[%dma_wait3A_76, %dma_wait3A_77] : memref<128x128xf32, #tpu.memory_space<vmem>> -> memref<120x128xf32, #tpu.memory_space<vmem>>
      tpu.wait_dma2 semaphore(%run_scoped3A : memref<!tpu.dma_semaphore, #tpu.memory_space<semaphore_mem>>) src(%dma_wait3A_78 : memref<120x128xf32, #tpu.memory_space<vmem>>) dst(%dma_wait3A_75 : memref<120x128xf32, #tpu.memory_space<vmem_shared>>)
      tpu.yield
    }) : () -> ()
    %barrier3A = arith.constant 0 : index
    tpu.barrier barrier_id(%barrier3A)
    %mul3A_20 = arith.constant 80 : i32
    %mul3A_21 = arith.muli %add3A, %mul3A_20 : i32
    %add3A_22 = arith.constant 0 : i32
    %add3A_23 = arith.addi %mul3A_21, %add3A_22 : i32
    "tpu.region"() ({
      %run_scoped3A = tpu.sem_alloc : memref<!tpu.dma_semaphore, #tpu.memory_space<semaphore_mem>>
      %dma_start3A_60 = arith.constant 0 : i32
      %dma_start3A_61 = tpu.memref_slice %arg3[%add3A_23, %dma_start3A_60] : memref<2560x128xi32, #tpu.memory_space<hbm>> -> memref<40x128xi32, #tpu.memory_space<hbm>>
      %dma_start3A_62 = arith.constant 0 : i32
      %dma_start3A_63 = tpu.memref_slice %arg3[%add3A_23, %dma_start3A_62] : memref<2560x128xi32, #tpu.memory_space<hbm>> -> memref<40x128xi32, #tpu.memory_space<hbm>>
      tpu.enqueue_dma source(%dma_start3A_63 : memref<40x128xi32, #tpu.memory_space<hbm>>) target(%arg6 : memref<40x128xi32, #tpu.memory_space<vmem>>) target_semaphore(%run_scoped3A : memref<!tpu.dma_semaphore, #tpu.memory_space<semaphore_mem>>)
      %dma_wait3A = arith.constant 0 : i32
      %dma_wait3A_64 = tpu.memref_slice %arg3[%add3A_23, %dma_wait3A] : memref<2560x128xi32, #tpu.memory_space<hbm>> -> memref<40x128xi32, #tpu.memory_space<hbm>>
      %dma_wait3A_65 = arith.constant 0 : i32
      %dma_wait3A_66 = tpu.memref_slice %arg3[%add3A_23, %dma_wait3A_65] : memref<2560x128xi32, #tpu.memory_space<hbm>> -> memref<40x128xi32, #tpu.memory_space<hbm>>
      tpu.wait_dma2 semaphore(%run_scoped3A : memref<!tpu.dma_semaphore, #tpu.memory_space<semaphore_mem>>) src(%dma_wait3A_66 : memref<40x128xi32, #tpu.memory_space<hbm>>) dst(%arg6 : memref<40x128xi32, #tpu.memory_space<vmem>>)
      tpu.yield
    }) : () -> ()
    "tpu.region"() ({
      %run_scoped3A = tpu.sem_alloc : memref<!tpu.dma_semaphore, #tpu.memory_space<semaphore_mem>>
      %dma_start3A_60 = arith.constant 0 : i32
      %dma_start3A_61 = tpu.memref_slice %arg4[%add3A_23, %dma_start3A_60] : memref<2560x128xi32, #tpu.memory_space<hbm>> -> memref<40x128xi32, #tpu.memory_space<hbm>>
      %dma_start3A_62 = arith.constant 0 : i32
      %dma_start3A_63 = tpu.memref_slice %arg4[%add3A_23, %dma_start3A_62] : memref<2560x128xi32, #tpu.memory_space<hbm>> -> memref<40x128xi32, #tpu.memory_space<hbm>>
      tpu.enqueue_dma source(%dma_start3A_63 : memref<40x128xi32, #tpu.memory_space<hbm>>) target(%arg7 : memref<40x128xi32, #tpu.memory_space<vmem>>) target_semaphore(%run_scoped3A : memref<!tpu.dma_semaphore, #tpu.memory_space<semaphore_mem>>)
      %dma_wait3A = arith.constant 0 : i32
      %dma_wait3A_64 = tpu.memref_slice %arg4[%add3A_23, %dma_wait3A] : memref<2560x128xi32, #tpu.memory_space<hbm>> -> memref<40x128xi32, #tpu.memory_space<hbm>>
      %dma_wait3A_65 = arith.constant 0 : i32
      %dma_wait3A_66 = tpu.memref_slice %arg4[%add3A_23, %dma_wait3A_65] : memref<2560x128xi32, #tpu.memory_space<hbm>> -> memref<40x128xi32, #tpu.memory_space<hbm>>
      tpu.wait_dma2 semaphore(%run_scoped3A : memref<!tpu.dma_semaphore, #tpu.memory_space<semaphore_mem>>) src(%dma_wait3A_66 : memref<40x128xi32, #tpu.memory_space<hbm>>) dst(%arg7 : memref<40x128xi32, #tpu.memory_space<vmem>>)
      tpu.yield
    }) : () -> ()
    %dma_start3A = arith.constant 0 : i32
    %dma_start3A_24 = arith.constant 0 : i32
    %dma_start3A_25 = tpu.memref_slice %arg6[%dma_start3A, %dma_start3A_24] : memref<40x128xi32, #tpu.memory_space<vmem>> -> memref<1x128xi32, #tpu.memory_space<vmem>>
    %dma_start3A_26 = tpu.memref_squeeze %dma_start3A_25 : memref<1x128xi32, #tpu.memory_space<vmem>> -> memref<128xi32, #tpu.memory_space<vmem>>
    %dma_start3A_27 = arith.constant 0 : i32
    %dma_start3A_28 = arith.constant 0 : i32
    %dma_start3A_29 = tpu.memref_slice %arg2[%dma_start3A_27, %dma_start3A_28] : memref<10128x128xf32, #tpu.memory_space<hbm>> -> memref<10128x128xf32, #tpu.memory_space<hbm>>
    tpu.enqueue_indirect_dma source(%dma_start3A_29 : memref<10128x128xf32, #tpu.memory_space<hbm>>) target(%arg8 : memref<128x128xf32, #tpu.memory_space<vmem>>) offsets(%dma_start3A_26 : memref<128xi32, #tpu.memory_space<vmem>>) semaphore(%arg11 : memref<!tpu.dma_semaphore, #tpu.memory_space<semaphore_mem>>)
    %scan3A_30 = arith.constant 0 : i32
    %scan3A_31 = arith.constant 0 : i32
    %scan3A_32 = arith.constant 20 : i32
    %scan3A_33 = arith.addi %scan3A_31, %scan3A_32 : i32
    %scan3A_34 = arith.constant 1 : i32
    %scan3A_35 = scf.for %scan3A_60 = %scan3A_31 to %scan3A_33 step %scan3A_34 iter_args(%scan3A_61 = %scan3A_30) -> (i32)  : i32 {
      %mul3A_62 = arith.constant 2 : i32
      %mul3A_63 = arith.muli %mul3A_62, %scan3A_60 : i32
      %add3A_64 = arith.constant 1 : i32
      %add3A_65 = arith.addi %mul3A_63, %add3A_64 : i32
      %dma_start3A_66 = arith.constant 0 : i32
      %dma_start3A_67 = tpu.memref_slice %arg6[%add3A_65, %dma_start3A_66] : memref<40x128xi32, #tpu.memory_space<vmem>> -> memref<1x128xi32, #tpu.memory_space<vmem>>
      %dma_start3A_68 = tpu.memref_squeeze %dma_start3A_67 : memref<1x128xi32, #tpu.memory_space<vmem>> -> memref<128xi32, #tpu.memory_space<vmem>>
      %dma_start3A_69 = arith.constant 0 : i32
      %dma_start3A_70 = arith.constant 0 : i32
      %dma_start3A_71 = tpu.memref_slice %arg2[%dma_start3A_69, %dma_start3A_70] : memref<10128x128xf32, #tpu.memory_space<hbm>> -> memref<10128x128xf32, #tpu.memory_space<hbm>>
      tpu.enqueue_indirect_dma source(%dma_start3A_71 : memref<10128x128xf32, #tpu.memory_space<hbm>>) target(%arg9 : memref<128x128xf32, #tpu.memory_space<vmem>>) offsets(%dma_start3A_68 : memref<128xi32, #tpu.memory_space<vmem>>) semaphore(%arg12 : memref<!tpu.dma_semaphore, #tpu.memory_space<semaphore_mem>>)
      %dma_wait3A = arith.constant 0 : i32
      %dma_wait3A_72 = tpu.memref_slice %arg6[%mul3A_63, %dma_wait3A] : memref<40x128xi32, #tpu.memory_space<vmem>> -> memref<1x128xi32, #tpu.memory_space<vmem>>
      %dma_wait3A_73 = tpu.memref_squeeze %dma_wait3A_72 : memref<1x128xi32, #tpu.memory_space<vmem>> -> memref<128xi32, #tpu.memory_space<vmem>>
      %dma_wait3A_74 = arith.constant 0 : i32
      %dma_wait3A_75 = arith.constant 0 : i32
      %dma_wait3A_76 = tpu.memref_slice %arg2[%dma_wait3A_74, %dma_wait3A_75] : memref<10128x128xf32, #tpu.memory_space<hbm>> -> memref<10128x128xf32, #tpu.memory_space<hbm>>
      tpu.wait_indirect_dma semaphore(%arg11 : memref<!tpu.dma_semaphore, #tpu.memory_space<semaphore_mem>>) src(%dma_wait3A_76 : memref<10128x128xf32, #tpu.memory_space<hbm>>) dst(%arg8 : memref<128x128xf32, #tpu.memory_space<vmem>>)
      "tpu.region"() ({
        %run_scoped3A = tpu.sem_alloc : memref<!tpu.dma_semaphore, #tpu.memory_space<semaphore_mem>>
        %dma_start3A_90 = arith.constant 0 : i32
        %dma_start3A_91 = tpu.memref_slice %arg7[%mul3A_63, %dma_start3A_90] : memref<40x128xi32, #tpu.memory_space<vmem>> -> memref<1x128xi32, #tpu.memory_space<vmem>>
        %dma_start3A_92 = tpu.memref_squeeze %dma_start3A_91 : memref<1x128xi32, #tpu.memory_space<vmem>> -> memref<128xi32, #tpu.memory_space<vmem>>
        %dma_start3A_93 = arith.constant 0 : i32
        %dma_start3A_94 = arith.constant 0 : i32
        %dma_start3A_95 = tpu.memref_slice %arg10[%dma_start3A_93, %dma_start3A_94] : memref<10000x128xf32, #tpu.memory_space<vmem_shared>> -> memref<10000x128xf32, #tpu.memory_space<vmem_shared>>
        tpu.enqueue_indirect_dma source(%arg8 : memref<128x128xf32, #tpu.memory_space<vmem>>) target(%dma_start3A_95 : memref<10000x128xf32, #tpu.memory_space<vmem_shared>>) offsets(%dma_start3A_92 : memref<128xi32, #tpu.memory_space<vmem>>) semaphore(%run_scoped3A : memref<!tpu.dma_semaphore, #tpu.memory_space<semaphore_mem>>) {add = true}
        %dma_wait3A_96 = arith.constant 0 : i32
        %dma_wait3A_97 = tpu.memref_slice %arg7[%mul3A_63, %dma_wait3A_96] : memref<40x128xi32, #tpu.memory_space<vmem>> -> memref<1x128xi32, #tpu.memory_space<vmem>>
        %dma_wait3A_98 = tpu.memref_squeeze %dma_wait3A_97 : memref<1x128xi32, #tpu.memory_space<vmem>> -> memref<128xi32, #tpu.memory_space<vmem>>
        %dma_wait3A_99 = arith.constant 0 : i32
        %dma_wait3A_100 = arith.constant 0 : i32
        %dma_wait3A_101 = tpu.memref_slice %arg10[%dma_wait3A_99, %dma_wait3A_100] : memref<10000x128xf32, #tpu.memory_space<vmem_shared>> -> memref<10000x128xf32, #tpu.memory_space<vmem_shared>>
        tpu.wait_indirect_dma semaphore(%run_scoped3A : memref<!tpu.dma_semaphore, #tpu.memory_space<semaphore_mem>>) src(%arg8 : memref<128x128xf32, #tpu.memory_space<vmem>>) dst(%dma_wait3A_101 : memref<10000x128xf32, #tpu.memory_space<vmem_shared>>)
        tpu.yield
      }) : () -> ()
      %lt3A = arith.constant 19 : i32
      %lt3A_77 = arith.cmpi slt, %scan3A_60, %lt3A : i32
      %convert_element_type3A = arith.extui %lt3A_77 : i1 to i32
      %cond3A = arith.constant 0 : i32
      %cond3A_78 = arith.cmpi ne, %convert_element_type3A, %cond3A : i32
      scf.if %cond3A_78 {
        %add3A_90 = arith.constant 2 : i32
        %add3A_91 = arith.addi %mul3A_63, %add3A_90 : i32
        %dma_start3A_92 = arith.constant 0 : i32
        %dma_start3A_93 = tpu.memref_slice %arg6[%add3A_91, %dma_start3A_92] : memref<40x128xi32, #tpu.memory_space<vmem>> -> memref<1x128xi32, #tpu.memory_space<vmem>>
        %dma_start3A_94 = tpu.memref_squeeze %dma_start3A_93 : memref<1x128xi32, #tpu.memory_space<vmem>> -> memref<128xi32, #tpu.memory_space<vmem>>
        %dma_start3A_95 = arith.constant 0 : i32
        %dma_start3A_96 = arith.constant 0 : i32
        %dma_start3A_97 = tpu.memref_slice %arg2[%dma_start3A_95, %dma_start3A_96] : memref<10128x128xf32, #tpu.memory_space<hbm>> -> memref<10128x128xf32, #tpu.memory_space<hbm>>
        tpu.enqueue_indirect_dma source(%dma_start3A_97 : memref<10128x128xf32, #tpu.memory_space<hbm>>) target(%arg8 : memref<128x128xf32, #tpu.memory_space<vmem>>) offsets(%dma_start3A_94 : memref<128xi32, #tpu.memory_space<vmem>>) semaphore(%arg11 : memref<!tpu.dma_semaphore, #tpu.memory_space<semaphore_mem>>)
      } else {
      }
      %add3A_79 = arith.constant 1 : i32
      %add3A_80 = arith.addi %mul3A_63, %add3A_79 : i32
      %dma_wait3A_81 = arith.constant 0 : i32
      %dma_wait3A_82 = tpu.memref_slice %arg6[%add3A_80, %dma_wait3A_81] : memref<40x128xi32, #tpu.memory_space<vmem>> -> memref<1x128xi32, #tpu.memory_space<vmem>>
      %dma_wait3A_83 = tpu.memref_squeeze %dma_wait3A_82 : memref<1x128xi32, #tpu.memory_space<vmem>> -> memref<128xi32, #tpu.memory_space<vmem>>
      %dma_wait3A_84 = arith.constant 0 : i32
      %dma_wait3A_85 = arith.constant 0 : i32
      %dma_wait3A_86 = tpu.memref_slice %arg2[%dma_wait3A_84, %dma_wait3A_85] : memref<10128x128xf32, #tpu.memory_space<hbm>> -> memref<10128x128xf32, #tpu.memory_space<hbm>>
      tpu.wait_indirect_dma semaphore(%arg12 : memref<!tpu.dma_semaphore, #tpu.memory_space<semaphore_mem>>) src(%dma_wait3A_86 : memref<10128x128xf32, #tpu.memory_space<hbm>>) dst(%arg9 : memref<128x128xf32, #tpu.memory_space<vmem>>)
      %add3A_87 = arith.constant 1 : i32
      %add3A_88 = arith.addi %mul3A_63, %add3A_87 : i32
      "tpu.region"() ({
        %run_scoped3A = tpu.sem_alloc : memref<!tpu.dma_semaphore, #tpu.memory_space<semaphore_mem>>
        %dma_start3A_90 = arith.constant 0 : i32
        %dma_start3A_91 = tpu.memref_slice %arg7[%add3A_88, %dma_start3A_90] : memref<40x128xi32, #tpu.memory_space<vmem>> -> memref<1x128xi32, #tpu.memory_space<vmem>>
        %dma_start3A_92 = tpu.memref_squeeze %dma_start3A_91 : memref<1x128xi32, #tpu.memory_space<vmem>> -> memref<128xi32, #tpu.memory_space<vmem>>
        %dma_start3A_93 = arith.constant 0 : i32
        %dma_start3A_94 = arith.constant 0 : i32
        %dma_start3A_95 = tpu.memref_slice %arg10[%dma_start3A_93, %dma_start3A_94] : memref<10000x128xf32, #tpu.memory_space<vmem_shared>> -> memref<10000x128xf32, #tpu.memory_space<vmem_shared>>
        tpu.enqueue_indirect_dma source(%arg9 : memref<128x128xf32, #tpu.memory_space<vmem>>) target(%dma_start3A_95 : memref<10000x128xf32, #tpu.memory_space<vmem_shared>>) offsets(%dma_start3A_92 : memref<128xi32, #tpu.memory_space<vmem>>) semaphore(%run_scoped3A : memref<!tpu.dma_semaphore, #tpu.memory_space<semaphore_mem>>) {add = true}
        %dma_wait3A_96 = arith.constant 0 : i32
        %dma_wait3A_97 = tpu.memref_slice %arg7[%add3A_88, %dma_wait3A_96] : memref<40x128xi32, #tpu.memory_space<vmem>> -> memref<1x128xi32, #tpu.memory_space<vmem>>
        %dma_wait3A_98 = tpu.memref_squeeze %dma_wait3A_97 : memref<1x128xi32, #tpu.memory_space<vmem>> -> memref<128xi32, #tpu.memory_space<vmem>>
        %dma_wait3A_99 = arith.constant 0 : i32
        %dma_wait3A_100 = arith.constant 0 : i32
        %dma_wait3A_101 = tpu.memref_slice %arg10[%dma_wait3A_99, %dma_wait3A_100] : memref<10000x128xf32, #tpu.memory_space<vmem_shared>> -> memref<10000x128xf32, #tpu.memory_space<vmem_shared>>
        tpu.wait_indirect_dma semaphore(%run_scoped3A : memref<!tpu.dma_semaphore, #tpu.memory_space<semaphore_mem>>) src(%arg9 : memref<128x128xf32, #tpu.memory_space<vmem>>) dst(%dma_wait3A_101 : memref<10000x128xf32, #tpu.memory_space<vmem_shared>>)
        tpu.yield
      }) : () -> ()
      %scan3A_89 = arith.constant 0 : i32
      scf.yield %scan3A_89 : i32
    }
    %scan3A_36 = arith.constant 20 : i32
    %mul3A_37 = arith.constant 80 : i32
    %mul3A_38 = arith.muli %add3A, %mul3A_37 : i32
    %add3A_39 = arith.constant 40 : i32
    %add3A_40 = arith.addi %mul3A_38, %add3A_39 : i32
    "tpu.region"() ({
      %run_scoped3A = tpu.sem_alloc : memref<!tpu.dma_semaphore, #tpu.memory_space<semaphore_mem>>
      %dma_start3A_60 = arith.constant 0 : i32
      %dma_start3A_61 = tpu.memref_slice %arg3[%add3A_40, %dma_start3A_60] : memref<2560x128xi32, #tpu.memory_space<hbm>> -> memref<40x128xi32, #tpu.memory_space<hbm>>
      %dma_start3A_62 = arith.constant 0 : i32
      %dma_start3A_63 = tpu.memref_slice %arg3[%add3A_40, %dma_start3A_62] : memref<2560x128xi32, #tpu.memory_space<hbm>> -> memref<40x128xi32, #tpu.memory_space<hbm>>
      tpu.enqueue_dma source(%dma_start3A_63 : memref<40x128xi32, #tpu.memory_space<hbm>>) target(%arg6 : memref<40x128xi32, #tpu.memory_space<vmem>>) target_semaphore(%run_scoped3A : memref<!tpu.dma_semaphore, #tpu.memory_space<semaphore_mem>>)
      %dma_wait3A = arith.constant 0 : i32
      %dma_wait3A_64 = tpu.memref_slice %arg3[%add3A_40, %dma_wait3A] : memref<2560x128xi32, #tpu.memory_space<hbm>> -> memref<40x128xi32, #tpu.memory_space<hbm>>
      %dma_wait3A_65 = arith.constant 0 : i32
      %dma_wait3A_66 = tpu.memref_slice %arg3[%add3A_40, %dma_wait3A_65] : memref<2560x128xi32, #tpu.memory_space<hbm>> -> memref<40x128xi32, #tpu.memory_space<hbm>>
      tpu.wait_dma2 semaphore(%run_scoped3A : memref<!tpu.dma_semaphore, #tpu.memory_space<semaphore_mem>>) src(%dma_wait3A_66 : memref<40x128xi32, #tpu.memory_space<hbm>>) dst(%arg6 : memref<40x128xi32, #tpu.memory_space<vmem>>)
      tpu.yield
    }) : () -> ()
    "tpu.region"() ({
      %run_scoped3A = tpu.sem_alloc : memref<!tpu.dma_semaphore, #tpu.memory_space<semaphore_mem>>
      %dma_start3A_60 = arith.constant 0 : i32
      %dma_start3A_61 = tpu.memref_slice %arg4[%add3A_40, %dma_start3A_60] : memref<2560x128xi32, #tpu.memory_space<hbm>> -> memref<40x128xi32, #tpu.memory_space<hbm>>
      %dma_start3A_62 = arith.constant 0 : i32
      %dma_start3A_63 = tpu.memref_slice %arg4[%add3A_40, %dma_start3A_62] : memref<2560x128xi32, #tpu.memory_space<hbm>> -> memref<40x128xi32, #tpu.memory_space<hbm>>
      tpu.enqueue_dma source(%dma_start3A_63 : memref<40x128xi32, #tpu.memory_space<hbm>>) target(%arg7 : memref<40x128xi32, #tpu.memory_space<vmem>>) target_semaphore(%run_scoped3A : memref<!tpu.dma_semaphore, #tpu.memory_space<semaphore_mem>>)
      %dma_wait3A = arith.constant 0 : i32
      %dma_wait3A_64 = tpu.memref_slice %arg4[%add3A_40, %dma_wait3A] : memref<2560x128xi32, #tpu.memory_space<hbm>> -> memref<40x128xi32, #tpu.memory_space<hbm>>
      %dma_wait3A_65 = arith.constant 0 : i32
      %dma_wait3A_66 = tpu.memref_slice %arg4[%add3A_40, %dma_wait3A_65] : memref<2560x128xi32, #tpu.memory_space<hbm>> -> memref<40x128xi32, #tpu.memory_space<hbm>>
      tpu.wait_dma2 semaphore(%run_scoped3A : memref<!tpu.dma_semaphore, #tpu.memory_space<semaphore_mem>>) src(%dma_wait3A_66 : memref<40x128xi32, #tpu.memory_space<hbm>>) dst(%arg7 : memref<40x128xi32, #tpu.memory_space<vmem>>)
      tpu.yield
    }) : () -> ()
    %dma_start3A_41 = arith.constant 0 : i32
    %dma_start3A_42 = arith.constant 0 : i32
    %dma_start3A_43 = tpu.memref_slice %arg6[%dma_start3A_41, %dma_start3A_42] : memref<40x128xi32, #tpu.memory_space<vmem>> -> memref<1x128xi32, #tpu.memory_space<vmem>>
    %dma_start3A_44 = tpu.memref_squeeze %dma_start3A_43 : memref<1x128xi32, #tpu.memory_space<vmem>> -> memref<128xi32, #tpu.memory_space<vmem>>
    %dma_start3A_45 = arith.constant 0 : i32
    %dma_start3A_46 = arith.constant 0 : i32
    %dma_start3A_47 = tpu.memref_slice %arg2[%dma_start3A_45, %dma_start3A_46] : memref<10128x128xf32, #tpu.memory_space<hbm>> -> memref<10128x128xf32, #tpu.memory_space<hbm>>
    tpu.enqueue_indirect_dma source(%dma_start3A_47 : memref<10128x128xf32, #tpu.memory_space<hbm>>) target(%arg8 : memref<128x128xf32, #tpu.memory_space<vmem>>) offsets(%dma_start3A_44 : memref<128xi32, #tpu.memory_space<vmem>>) semaphore(%arg11 : memref<!tpu.dma_semaphore, #tpu.memory_space<semaphore_mem>>)
    %scan3A_48 = arith.constant 0 : i32
    %scan3A_49 = arith.constant 0 : i32
    %scan3A_50 = arith.constant 20 : i32
    %scan3A_51 = arith.addi %scan3A_49, %scan3A_50 : i32
    %scan3A_52 = arith.constant 1 : i32
    %scan3A_53 = scf.for %scan3A_60 = %scan3A_49 to %scan3A_51 step %scan3A_52 iter_args(%scan3A_61 = %scan3A_48) -> (i32)  : i32 {
      %mul3A_62 = arith.constant 2 : i32
      %mul3A_63 = arith.muli %mul3A_62, %scan3A_60 : i32
      %add3A_64 = arith.constant 1 : i32
      %add3A_65 = arith.addi %mul3A_63, %add3A_64 : i32
      %dma_start3A_66 = arith.constant 0 : i32
      %dma_start3A_67 = tpu.memref_slice %arg6[%add3A_65, %dma_start3A_66] : memref<40x128xi32, #tpu.memory_space<vmem>> -> memref<1x128xi32, #tpu.memory_space<vmem>>
      %dma_start3A_68 = tpu.memref_squeeze %dma_start3A_67 : memref<1x128xi32, #tpu.memory_space<vmem>> -> memref<128xi32, #tpu.memory_space<vmem>>
      %dma_start3A_69 = arith.constant 0 : i32
      %dma_start3A_70 = arith.constant 0 : i32
      %dma_start3A_71 = tpu.memref_slice %arg2[%dma_start3A_69, %dma_start3A_70] : memref<10128x128xf32, #tpu.memory_space<hbm>> -> memref<10128x128xf32, #tpu.memory_space<hbm>>
      tpu.enqueue_indirect_dma source(%dma_start3A_71 : memref<10128x128xf32, #tpu.memory_space<hbm>>) target(%arg9 : memref<128x128xf32, #tpu.memory_space<vmem>>) offsets(%dma_start3A_68 : memref<128xi32, #tpu.memory_space<vmem>>) semaphore(%arg12 : memref<!tpu.dma_semaphore, #tpu.memory_space<semaphore_mem>>)
      %dma_wait3A = arith.constant 0 : i32
      %dma_wait3A_72 = tpu.memref_slice %arg6[%mul3A_63, %dma_wait3A] : memref<40x128xi32, #tpu.memory_space<vmem>> -> memref<1x128xi32, #tpu.memory_space<vmem>>
      %dma_wait3A_73 = tpu.memref_squeeze %dma_wait3A_72 : memref<1x128xi32, #tpu.memory_space<vmem>> -> memref<128xi32, #tpu.memory_space<vmem>>
      %dma_wait3A_74 = arith.constant 0 : i32
      %dma_wait3A_75 = arith.constant 0 : i32
      %dma_wait3A_76 = tpu.memref_slice %arg2[%dma_wait3A_74, %dma_wait3A_75] : memref<10128x128xf32, #tpu.memory_space<hbm>> -> memref<10128x128xf32, #tpu.memory_space<hbm>>
      tpu.wait_indirect_dma semaphore(%arg11 : memref<!tpu.dma_semaphore, #tpu.memory_space<semaphore_mem>>) src(%dma_wait3A_76 : memref<10128x128xf32, #tpu.memory_space<hbm>>) dst(%arg8 : memref<128x128xf32, #tpu.memory_space<vmem>>)
      "tpu.region"() ({
        %run_scoped3A = tpu.sem_alloc : memref<!tpu.dma_semaphore, #tpu.memory_space<semaphore_mem>>
        %dma_start3A_90 = arith.constant 0 : i32
        %dma_start3A_91 = tpu.memref_slice %arg7[%mul3A_63, %dma_start3A_90] : memref<40x128xi32, #tpu.memory_space<vmem>> -> memref<1x128xi32, #tpu.memory_space<vmem>>
        %dma_start3A_92 = tpu.memref_squeeze %dma_start3A_91 : memref<1x128xi32, #tpu.memory_space<vmem>> -> memref<128xi32, #tpu.memory_space<vmem>>
        %dma_start3A_93 = arith.constant 0 : i32
        %dma_start3A_94 = arith.constant 0 : i32
        %dma_start3A_95 = tpu.memref_slice %arg10[%dma_start3A_93, %dma_start3A_94] : memref<10000x128xf32, #tpu.memory_space<vmem_shared>> -> memref<10000x128xf32, #tpu.memory_space<vmem_shared>>
        tpu.enqueue_indirect_dma source(%arg8 : memref<128x128xf32, #tpu.memory_space<vmem>>) target(%dma_start3A_95 : memref<10000x128xf32, #tpu.memory_space<vmem_shared>>) offsets(%dma_start3A_92 : memref<128xi32, #tpu.memory_space<vmem>>) semaphore(%run_scoped3A : memref<!tpu.dma_semaphore, #tpu.memory_space<semaphore_mem>>) {add = true}
        %dma_wait3A_96 = arith.constant 0 : i32
        %dma_wait3A_97 = tpu.memref_slice %arg7[%mul3A_63, %dma_wait3A_96] : memref<40x128xi32, #tpu.memory_space<vmem>> -> memref<1x128xi32, #tpu.memory_space<vmem>>
        %dma_wait3A_98 = tpu.memref_squeeze %dma_wait3A_97 : memref<1x128xi32, #tpu.memory_space<vmem>> -> memref<128xi32, #tpu.memory_space<vmem>>
        %dma_wait3A_99 = arith.constant 0 : i32
        %dma_wait3A_100 = arith.constant 0 : i32
        %dma_wait3A_101 = tpu.memref_slice %arg10[%dma_wait3A_99, %dma_wait3A_100] : memref<10000x128xf32, #tpu.memory_space<vmem_shared>> -> memref<10000x128xf32, #tpu.memory_space<vmem_shared>>
        tpu.wait_indirect_dma semaphore(%run_scoped3A : memref<!tpu.dma_semaphore, #tpu.memory_space<semaphore_mem>>) src(%arg8 : memref<128x128xf32, #tpu.memory_space<vmem>>) dst(%dma_wait3A_101 : memref<10000x128xf32, #tpu.memory_space<vmem_shared>>)
        tpu.yield
      }) : () -> ()
      %lt3A = arith.constant 19 : i32
      %lt3A_77 = arith.cmpi slt, %scan3A_60, %lt3A : i32
      %convert_element_type3A = arith.extui %lt3A_77 : i1 to i32
      %cond3A = arith.constant 0 : i32
      %cond3A_78 = arith.cmpi ne, %convert_element_type3A, %cond3A : i32
      scf.if %cond3A_78 {
        %add3A_90 = arith.constant 2 : i32
        %add3A_91 = arith.addi %mul3A_63, %add3A_90 : i32
        %dma_start3A_92 = arith.constant 0 : i32
        %dma_start3A_93 = tpu.memref_slice %arg6[%add3A_91, %dma_start3A_92] : memref<40x128xi32, #tpu.memory_space<vmem>> -> memref<1x128xi32, #tpu.memory_space<vmem>>
        %dma_start3A_94 = tpu.memref_squeeze %dma_start3A_93 : memref<1x128xi32, #tpu.memory_space<vmem>> -> memref<128xi32, #tpu.memory_space<vmem>>
        %dma_start3A_95 = arith.constant 0 : i32
        %dma_start3A_96 = arith.constant 0 : i32
        %dma_start3A_97 = tpu.memref_slice %arg2[%dma_start3A_95, %dma_start3A_96] : memref<10128x128xf32, #tpu.memory_space<hbm>> -> memref<10128x128xf32, #tpu.memory_space<hbm>>
        tpu.enqueue_indirect_dma source(%dma_start3A_97 : memref<10128x128xf32, #tpu.memory_space<hbm>>) target(%arg8 : memref<128x128xf32, #tpu.memory_space<vmem>>) offsets(%dma_start3A_94 : memref<128xi32, #tpu.memory_space<vmem>>) semaphore(%arg11 : memref<!tpu.dma_semaphore, #tpu.memory_space<semaphore_mem>>)
      } else {
      }
      %add3A_79 = arith.constant 1 : i32
      %add3A_80 = arith.addi %mul3A_63, %add3A_79 : i32
      %dma_wait3A_81 = arith.constant 0 : i32
      %dma_wait3A_82 = tpu.memref_slice %arg6[%add3A_80, %dma_wait3A_81] : memref<40x128xi32, #tpu.memory_space<vmem>> -> memref<1x128xi32, #tpu.memory_space<vmem>>
      %dma_wait3A_83 = tpu.memref_squeeze %dma_wait3A_82 : memref<1x128xi32, #tpu.memory_space<vmem>> -> memref<128xi32, #tpu.memory_space<vmem>>
      %dma_wait3A_84 = arith.constant 0 : i32
      %dma_wait3A_85 = arith.constant 0 : i32
      %dma_wait3A_86 = tpu.memref_slice %arg2[%dma_wait3A_84, %dma_wait3A_85] : memref<10128x128xf32, #tpu.memory_space<hbm>> -> memref<10128x128xf32, #tpu.memory_space<hbm>>
      tpu.wait_indirect_dma semaphore(%arg12 : memref<!tpu.dma_semaphore, #tpu.memory_space<semaphore_mem>>) src(%dma_wait3A_86 : memref<10128x128xf32, #tpu.memory_space<hbm>>) dst(%arg9 : memref<128x128xf32, #tpu.memory_space<vmem>>)
      %add3A_87 = arith.constant 1 : i32
      %add3A_88 = arith.addi %mul3A_63, %add3A_87 : i32
      "tpu.region"() ({
        %run_scoped3A = tpu.sem_alloc : memref<!tpu.dma_semaphore, #tpu.memory_space<semaphore_mem>>
        %dma_start3A_90 = arith.constant 0 : i32
        %dma_start3A_91 = tpu.memref_slice %arg7[%add3A_88, %dma_start3A_90] : memref<40x128xi32, #tpu.memory_space<vmem>> -> memref<1x128xi32, #tpu.memory_space<vmem>>
        %dma_start3A_92 = tpu.memref_squeeze %dma_start3A_91 : memref<1x128xi32, #tpu.memory_space<vmem>> -> memref<128xi32, #tpu.memory_space<vmem>>
        %dma_start3A_93 = arith.constant 0 : i32
        %dma_start3A_94 = arith.constant 0 : i32
        %dma_start3A_95 = tpu.memref_slice %arg10[%dma_start3A_93, %dma_start3A_94] : memref<10000x128xf32, #tpu.memory_space<vmem_shared>> -> memref<10000x128xf32, #tpu.memory_space<vmem_shared>>
        tpu.enqueue_indirect_dma source(%arg9 : memref<128x128xf32, #tpu.memory_space<vmem>>) target(%dma_start3A_95 : memref<10000x128xf32, #tpu.memory_space<vmem_shared>>) offsets(%dma_start3A_92 : memref<128xi32, #tpu.memory_space<vmem>>) semaphore(%run_scoped3A : memref<!tpu.dma_semaphore, #tpu.memory_space<semaphore_mem>>) {add = true}
        %dma_wait3A_96 = arith.constant 0 : i32
        %dma_wait3A_97 = tpu.memref_slice %arg7[%add3A_88, %dma_wait3A_96] : memref<40x128xi32, #tpu.memory_space<vmem>> -> memref<1x128xi32, #tpu.memory_space<vmem>>
        %dma_wait3A_98 = tpu.memref_squeeze %dma_wait3A_97 : memref<1x128xi32, #tpu.memory_space<vmem>> -> memref<128xi32, #tpu.memory_space<vmem>>
        %dma_wait3A_99 = arith.constant 0 : i32
        %dma_wait3A_100 = arith.constant 0 : i32
        %dma_wait3A_101 = tpu.memref_slice %arg10[%dma_wait3A_99, %dma_wait3A_100] : memref<10000x128xf32, #tpu.memory_space<vmem_shared>> -> memref<10000x128xf32, #tpu.memory_space<vmem_shared>>
        tpu.wait_indirect_dma semaphore(%run_scoped3A : memref<!tpu.dma_semaphore, #tpu.memory_space<semaphore_mem>>) src(%arg9 : memref<128x128xf32, #tpu.memory_space<vmem>>) dst(%dma_wait3A_101 : memref<10000x128xf32, #tpu.memory_space<vmem_shared>>)
        tpu.yield
      }) : () -> ()
      %scan3A_89 = arith.constant 0 : i32
      scf.yield %scan3A_89 : i32
    }
    %scan3A_54 = arith.constant 20 : i32
    %barrier3A_55 = arith.constant 0 : index
    tpu.barrier barrier_id(%barrier3A_55)
    %mul3A_56 = arith.constant 632 : i32
    %mul3A_57 = arith.muli %arg1, %mul3A_56 : i32
    %min3A_58 = arith.constant 9368 : i32
    %min3A_59 = arith.minsi %mul3A_57, %min3A_58 : i32
    "tpu.region"() ({
      %run_scoped3A = tpu.sem_alloc : memref<!tpu.dma_semaphore, #tpu.memory_space<semaphore_mem>>
      %dma_start3A_60 = arith.constant 0 : i32
      %dma_start3A_61 = tpu.memref_slice %arg5[%arg0, %min3A_59, %dma_start3A_60] : memref<2x10000x128xf32, #tpu.memory_space<hbm>> -> memref<1x632x128xf32, #tpu.memory_space<hbm>>
      %dma_start3A_62 = tpu.memref_squeeze %dma_start3A_61 : memref<1x632x128xf32, #tpu.memory_space<hbm>> -> memref<632x128xf32, #tpu.memory_space<hbm>>
      %dma_start3A_63 = arith.constant 0 : i32
      %dma_start3A_64 = tpu.memref_slice %arg10[%min3A_59, %dma_start3A_63] : memref<10000x128xf32, #tpu.memory_space<vmem_shared>> -> memref<632x128xf32, #tpu.memory_space<vmem_shared>>
      tpu.enqueue_dma source(%dma_start3A_64 : memref<632x128xf32, #tpu.memory_space<vmem_shared>>) target(%dma_start3A_62 : memref<632x128xf32, #tpu.memory_space<hbm>>) target_semaphore(%run_scoped3A : memref<!tpu.dma_semaphore, #tpu.memory_space<semaphore_mem>>)
      %dma_wait3A = arith.constant 0 : i32
      %dma_wait3A_65 = tpu.memref_slice %arg5[%arg0, %min3A_59, %dma_wait3A] : memref<2x10000x128xf32, #tpu.memory_space<hbm>> -> memref<1x632x128xf32, #tpu.memory_space<hbm>>
      %dma_wait3A_66 = tpu.memref_squeeze %dma_wait3A_65 : memref<1x632x128xf32, #tpu.memory_space<hbm>> -> memref<632x128xf32, #tpu.memory_space<hbm>>
      %dma_wait3A_67 = arith.constant 0 : i32
      %dma_wait3A_68 = tpu.memref_slice %arg10[%min3A_59, %dma_wait3A_67] : memref<10000x128xf32, #tpu.memory_space<vmem_shared>> -> memref<632x128xf32, #tpu.memory_space<vmem_shared>>
      tpu.wait_dma2 semaphore(%run_scoped3A : memref<!tpu.dma_semaphore, #tpu.memory_space<semaphore_mem>>) src(%dma_wait3A_68 : memref<632x128xf32, #tpu.memory_space<vmem_shared>>) dst(%dma_wait3A_66 : memref<632x128xf32, #tpu.memory_space<hbm>>)
      tpu.yield
    }) : () -> ()
    return
  }
}

module attributes {stable_mosaic.version = 14 : i64} {
  func.func @_mlp_body(%arg0: i32, %arg1: memref<1000x128xf32, #tpu.memory_space<vmem>>, %arg2: memref<1000x128xf32, #tpu.memory_space<vmem>>, %arg3: memref<1000x128xf32, #tpu.memory_space<vmem>>, %arg4: memref<128x128xf32, #tpu.memory_space<vmem>>, %arg5: memref<1x128xf32, #tpu.memory_space<vmem>>, %arg6: memref<128x128xf32, #tpu.memory_space<vmem>>, %arg7: memref<1x128xf32, #tpu.memory_space<vmem>>, %arg8: memref<1000x128xf32, #tpu.memory_space<vmem>>) attributes {dimension_semantics = [#tpu.dimension_semantics<arbitrary>], iteration_bounds = array<i64: 10>, scalar_prefetch = 0 : i64, scratch_operands = 0 : i64, tpu.core_type = #tpu.core_type<tc>, window_params = [{transform_indices = @transform_0, window_bounds = array<i64: 1000, 128>}, {transform_indices = @transform_1, window_bounds = array<i64: 1000, 128>}, {transform_indices = @transform_2, window_bounds = array<i64: 1000, 128>}, {pipeline_mode = #tpu.pipeline_mode<synchronous>, transform_indices = @transform_3, window_bounds = array<i64: 128, 128>}, {pipeline_mode = #tpu.pipeline_mode<synchronous>, transform_indices = @transform_4, window_bounds = array<i64: 1, 128>}, {pipeline_mode = #tpu.pipeline_mode<synchronous>, transform_indices = @transform_5, window_bounds = array<i64: 128, 128>}, {pipeline_mode = #tpu.pipeline_mode<synchronous>, transform_indices = @transform_6, window_bounds = array<i64: 1, 128>}, {transform_indices = @transform_7, window_bounds = array<i64: 1000, 128>}]} {
    %get3A = arith.constant 0 : index
    %get3A_0 = arith.constant 0 : index
    %get3A_1 = vector.load %arg1[%get3A, %get3A_0] : memref<1000x128xf32, #tpu.memory_space<vmem>>, vector<1000x128xf32>
    %get3A_2 = arith.constant 0 : index
    %get3A_3 = arith.constant 0 : index
    %get3A_4 = vector.load %arg2[%get3A_2, %get3A_3] : memref<1000x128xf32, #tpu.memory_space<vmem>>, vector<1000x128xf32>
    %add3A = arith.addf %get3A_1, %get3A_4 : vector<1000x128xf32>
    %get3A_5 = arith.constant 0 : index
    %get3A_6 = arith.constant 0 : index
    %get3A_7 = vector.load %arg3[%get3A_5, %get3A_6] : memref<1000x128xf32, #tpu.memory_space<vmem>>, vector<1000x128xf32>
    %add3A_8 = arith.addf %add3A, %get3A_7 : vector<1000x128xf32>
    %get3A_9 = arith.constant 0 : index
    %get3A_10 = arith.constant 0 : index
    %get3A_11 = vector.load %arg4[%get3A_9, %get3A_10] : memref<128x128xf32, #tpu.memory_space<vmem>>, vector<128x128xf32>
    %dot_general3A = arith.constant dense<0.000000e+00> : vector<1000x128xf32>
    %dot_general3A_12 = tpu.matmul %add3A_8, %get3A_11, %dot_general3A {dimension_numbers = #tpu.dot_dimension_numbers<[1], [0], [0], [1], [0, 0, 1, 1], [], []>, transpose_lhs_hint = false} : vector<1000x128xf32>, vector<128x128xf32>, vector<1000x128xf32> -> vector<1000x128xf32>
    %get3A_13 = arith.constant 0 : index
    %get3A_14 = arith.constant 0 : index
    %get3A_15 = vector.load %arg5[%get3A_13, %get3A_14] : memref<1x128xf32, #tpu.memory_space<vmem>>, vector<1x128xf32>
    %add3A_16 = vector.broadcast %get3A_15 : vector<1x128xf32> to vector<1000x128xf32>
    %add3A_17 = arith.addf %dot_general3A_12, %add3A_16 : vector<1000x128xf32>
    %gt3A = arith.constant 0.000000e+00 : f32
    %gt3A_18 = vector.broadcast %gt3A : f32 to vector<1000x128xf32>
    %gt3A_19 = arith.cmpf ogt, %add3A_17, %gt3A_18 : vector<1000x128xf32>
    %exp3A = math.exp %add3A_17 : vector<1000x128xf32>
    %sub3A = arith.constant 1.000000e+00 : f32
    %sub3A_20 = vector.broadcast %sub3A : f32 to vector<1000x128xf32>
    %sub3A_21 = arith.subf %exp3A, %sub3A_20 : vector<1000x128xf32>
    %select_n3A = arith.select %gt3A_19, %add3A_17, %sub3A_21 : vector<1000x128xi1>, vector<1000x128xf32>
    %get3A_22 = arith.constant 0 : index
    %get3A_23 = arith.constant 0 : index
    %get3A_24 = vector.load %arg6[%get3A_22, %get3A_23] : memref<128x128xf32, #tpu.memory_space<vmem>>, vector<128x128xf32>
    %dot_general3A_25 = arith.constant dense<0.000000e+00> : vector<1000x128xf32>
    %dot_general3A_26 = tpu.matmul %select_n3A, %get3A_24, %dot_general3A_25 {dimension_numbers = #tpu.dot_dimension_numbers<[1], [0], [0], [1], [0, 0, 1, 1], [], []>, transpose_lhs_hint = false} : vector<1000x128xf32>, vector<128x128xf32>, vector<1000x128xf32> -> vector<1000x128xf32>
    %get3A_27 = arith.constant 0 : index
    %get3A_28 = arith.constant 0 : index
    %get3A_29 = vector.load %arg7[%get3A_27, %get3A_28] : memref<1x128xf32, #tpu.memory_space<vmem>>, vector<1x128xf32>
    %add3A_30 = vector.broadcast %get3A_29 : vector<1x128xf32> to vector<1000x128xf32>
    %add3A_31 = arith.addf %dot_general3A_26, %add3A_30 : vector<1000x128xf32>
    %swap3A = arith.constant 0 : index
    %swap3A_32 = arith.constant 0 : index
    %swap3A_33 = vector.load %arg8[%swap3A, %swap3A_32] : memref<1000x128xf32, #tpu.memory_space<vmem>>, vector<1000x128xf32>
    tpu.vector_store %arg8[%swap3A, %swap3A_32], %add3A_31 {strides = array<i32>} : memref<1000x128xf32, #tpu.memory_space<vmem>>, vector<1000x128xf32>,
    return
  }
  func.func @transform_0(%arg0: i32) -> (i32, i32) {
    %c0_i32 = arith.constant 0 : i32
    %c0_i32_0 = arith.constant 0 : i32
    return %arg0, %c0_i32 : i32, i32
  }
  func.func @transform_1(%arg0: i32) -> (i32, i32) {
    %c0_i32 = arith.constant 0 : i32
    %c0_i32_0 = arith.constant 0 : i32
    return %arg0, %c0_i32 : i32, i32
  }
  func.func @transform_2(%arg0: i32) -> (i32, i32) {
    %c0_i32 = arith.constant 0 : i32
    %c0_i32_0 = arith.constant 0 : i32
    return %arg0, %c0_i32 : i32, i32
  }
  func.func @transform_3(%arg0: i32) -> (i32, i32) {
    %c0_i32 = arith.constant 0 : i32
    %c0_i32_0 = arith.constant 0 : i32
    %c0_i32_1 = arith.constant 0 : i32
    return %c0_i32, %c0_i32_0 : i32, i32
  }
  func.func @transform_4(%arg0: i32) -> (i32, i32) {
    %c0_i32 = arith.constant 0 : i32
    %c0_i32_0 = arith.constant 0 : i32
    %c0_i32_1 = arith.constant 0 : i32
    return %c0_i32, %c0_i32_0 : i32, i32
  }
  func.func @transform_5(%arg0: i32) -> (i32, i32) {
    %c0_i32 = arith.constant 0 : i32
    %c0_i32_0 = arith.constant 0 : i32
    %c0_i32_1 = arith.constant 0 : i32
    return %c0_i32, %c0_i32_0 : i32, i32
  }
  func.func @transform_6(%arg0: i32) -> (i32, i32) {
    %c0_i32 = arith.constant 0 : i32
    %c0_i32_0 = arith.constant 0 : i32
    %c0_i32_1 = arith.constant 0 : i32
    return %c0_i32, %c0_i32_0 : i32, i32
  }
  func.func @transform_7(%arg0: i32) -> (i32, i32) {
    %c0_i32 = arith.constant 0 : i32
    %c0_i32_0 = arith.constant 0 : i32
    return %arg0, %c0_i32 : i32, i32
  }
}

</mosaic_0001>

<sc_bundles>
// kernel: kernel.4.cloned.1.call-start
scs
__scs_entry_jumppad:
0x0: {  	(pc) =	sbr.rel $0x88, $3  }
0x1: {  	(tag) =	ssettag $0x0;
	lr =	simm.s32 $0x1  }
0x2: {  	[smem:$0x3F9B] =	sst lr;
	_ =	strace $0xD0000000  }
0x3: {  	_ = 	snop  }
0x4: {  	_ = 	snop  }
0x5: {  	_ = 	snop  }
0x6: {  	_ = 	snop  }
0x7: {  	_ = 	snop  }
__scs_overlays_trampoline_lowered:
0x8: {  	[smem:$0x3FAA] =	sst s0  }
0x9: {  	[smem:$0x3FAB] =	sst s1  }
0xa: {  	[smem:$0x3FAC] =	sst s2  }
0xb: {  	[smem:$0x3FAD] =	sst s3  }
0xc: {  	[smem:$0x3FAE] =	sst s4  }
0xd: {  	[smem:$0x3FAF] =	sst s5  }
0xe: {  	[smem:$0x3FB0] =	sst s6  }
0xf: {  	[smem:$0x3FB1] =	sst s7  }
0x10: {  	[smem:$0x3FB2] =	sst s8  }
0x11: {  	[smem:$0x3FB3] =	sst s9;
	s0 =	simm.s32 @!p0 $0x0  }
0x12: {  	s1 =	sld [smem:$0x3F99];
	s0 =	simm.s32 @p0 $0x1  }
0x13: {  	[smem:$0x3FB4] =	sst s0;
	s0 =	simm.s32 @!p1 $0x0  }
0x14: {  	s2 =	sld [smem:$0x3F98];
	s0 =	simm.s32 @p1 $0x1  }
0x15: {  	[smem:$0x3FB5] =	sst s0;
	s0 =	simm.s32 @!p2 $0x0  }
0x16: {  	s3 =	sld [smem:$0x3FDB];
	s0 =	simm.s32 @p2 $0x1  }
0x17: {  	s4 =	simm.s32 $0x1BF5;
	[smem:$0x3FB7] =	sst s0  }
0x18: {  	s0 =	sld [smem:$0x3F9A];
	_ =	swait.ge [sflag:s4], $0x0  }
0x19: {  	s7 =	sld [smem:$0x3F9B]  }
0x1a: {  	s8 =	sadd.s32 $0xFFFFE003, lr  }
0x1b: {  	s9 =	sadd.s32 $0xFFFFFEF7, lr;
	s5 =	simm.s32 $0xFFFFFFFF;
	p2 =	slt.u32 s8, $0xFFFFF086  }
0x1c: {  	p1 =	slt.u32 s9, $0xF7A;
	s5 =	simm.s32 @!p2 $0x0  }
0x1d: {  	s5 =	simm.s32 @p1 $0x1;
	p0 =	seq.s32 s7, s2  }
0x1e: {  	s7 =	smul.u32 @!p0 $0xF7A, s2;
	p2 =	seq.s32 @!p0 s5, $0x0  }
0x1f: {  	s9 =	smul.u32 $0xF7A, s1;
	s8 =	simm.s32 @!p0 $0x1BF5;
	p2 =	por !p2, p0  }
0x20: {  	[sflag:s8] =	ssyncset.s32 @!p0 $0xFFFFF086;
	s6 =	sadd.s32 @!p0 s3, s7;
	s7 =	simm.s32 @!p0 $0x108  }
0x21: {  	s3 =	sadd.s32 s3, s9;
	s6 =	sadd.s32 @!p0 $0x88, s6;
	s7 =	simm.s32 @p2 $0x1082  }
0x22: {  	[simem:s7], [sflag:s8] =	dma.local @!p0 [hbm:s6], $0xF7A  }
0x23: {  	s9 =	sor.u32 $0xD0000000, s2;
	s6 =	simm.s32 $0x108;
	_ =	swait.ge @!p0 [sflag:s8], $0x0  }
0x24: {  	s3 =	sadd.s32 $0x88, s3;
	s6 =	simm.s32 @!p1 $0x1082;
	[sflag:s4] =	ssyncset.s32 $0xFFFFF086  }
0x25: {  	[simem:s6], [sflag:s4] =	dma.local [hbm:s3], $0xF7A  }
0x26: {  	[smem:$0x3F9B] =	sst s1;
	(tag) =	ssettag s2;
	_ =	strace s9  }
0x27: {  	s1 =	sld [smem:$0x3FAB]  }
0x28: {  	s2 =	sld [smem:$0x3FAC]  }
0x29: {  	s4 =	sld [smem:$0x3FAE]  }
0x2a: {  	p0 =	seq.s32 s5, $0x0;
	s5 =	sld [smem:$0x3FAF]  }
0x2b: {  	s6 =	sld [smem:$0x3FB0]  }
0x2c: {  	s7 =	sld [smem:$0x3FB1]  }
0x2d: {  	s3 =	simm.s32 $0x108;
	s8 =	sld [smem:$0x3FB2]  }
0x2e: {  	s3 =	simm.s32 @!p0 $0x1082;
	s9 =	sld [smem:$0x3FB3]  }
0x2f: {  	lr =	sadd.s32 s0, s3;
	s0 =	sld [smem:$0x3FAA]  }
0x30: {  	s3 =	sld [smem:$0x3FAD]  }
0x31: {  	[smem:$0x3FB6] =	sst s10  }
0x32: {  	s10 =	sld [smem:$0x3FB4];
	_ =	sdelay $0x3  }
0x33: {  	p0 =	seq.s32 s10, $0x1;
	s10 =	sld [smem:$0x3FB6];
	_ =	sdelay $0x3  }
0x34: {  	[smem:$0x3FB6] =	sst s10  }
0x35: {  	s10 =	sld [smem:$0x3FB5];
	_ =	sdelay $0x3  }
0x36: {  	p1 =	seq.s32 s10, $0x1;
	s10 =	sld [smem:$0x3FB6];
	_ =	sdelay $0x3  }
0x37: {  	[smem:$0x3FB6] =	sst s10  }
0x38: {  	s10 =	sld [smem:$0x3FB7]  }
0x39: {  	_ = 	snop;
	(pc) =	sbr.ind lr, $3  }
0x3a: {  	_ = 	snop  }
0x3b: {  	_ = 	snop  }
0x3c: {  	p2 =	seq.s32 s10, $0x1;
	s10 =	sld [smem:$0x3FB6]  }
0x3d: {  	_ =	shalt  }
0x3e: {  	_ =	shalt  }
0x3f: {  	_ =	shalt  }
0x40: {  	_ =	shalt  }
0x41: {  	_ =	shalt  }
0x42: {  	_ =	shalt  }
0x43: {  	_ =	shalt  }
0x44: {  	_ =	shalt  }
0x45: {  	_ =	shalt  }
0x46: {  	_ =	shalt  }
0x47: {  	_ =	shalt  }
0x48: {  	_ =	shalt  }
0x49: {  	_ =	shalt  }
0x4a: {  	_ =	shalt  }
0x4b: {  	_ =	shalt  }
0x4c: {  	_ =	shalt  }
0x4d: {  	_ =	shalt  }
0x4e: {  	_ =	shalt  }
0x4f: {  	_ =	shalt  }
0x50: {  	_ =	shalt  }
0x51: {  	_ =	shalt  }
0x52: {  	_ =	shalt  }
0x53: {  	_ =	shalt  }
0x54: {  	_ =	shalt  }
0x55: {  	_ =	shalt  }
0x56: {  	_ =	shalt  }
0x57: {  	_ =	shalt  }
0x58: {  	_ =	shalt  }
0x59: {  	_ =	shalt  }
0x5a: {  	_ =	shalt  }
0x5b: {  	_ =	shalt  }
0x5c: {  	_ =	shalt  }
0x5d: {  	_ =	shalt  }
0x5e: {  	_ =	shalt  }
0x5f: {  	_ =	shalt  }
0x60: {  	_ =	shalt  }
0x61: {  	_ =	shalt  }
0x62: {  	_ =	shalt  }
0x63: {  	_ =	shalt  }
0x64: {  	_ =	shalt  }
0x65: {  	_ =	shalt  }
0x66: {  	_ =	shalt  }
0x67: {  	_ =	shalt  }
0x68: {  	_ =	shalt  }
0x69: {  	_ =	shalt  }
0x6a: {  	_ =	shalt  }
0x6b: {  	_ =	shalt  }
0x6c: {  	_ =	shalt  }
0x6d: {  	_ =	shalt  }
0x6e: {  	_ =	shalt  }
0x6f: {  	_ =	shalt  }
0x70: {  	_ =	shalt  }
0x71: {  	_ =	shalt  }
0x72: {  	_ =	shalt  }
0x73: {  	_ =	shalt  }
0x74: {  	_ =	shalt  }
0x75: {  	_ =	shalt  }
0x76: {  	_ =	shalt  }
0x77: {  	_ =	shalt  }
0x78: {  	_ =	shalt  }
0x79: {  	_ =	shalt  }
0x7a: {  	_ =	shalt  }
0x7b: {  	_ =	shalt  }
0x7c: {  	_ =	shalt  }
0x7d: {  	_ =	shalt  }
0x7e: {  	_ =	shalt  }
0x7f: {  	_ =	shalt  }
0x80: {  	_ =	shalt  }
0x81: {  	_ =	shalt  }
0x82: {  	_ =	shalt  }
0x83: {  	_ =	shalt  }
0x84: {  	_ =	shalt  }
0x85: {  	_ =	shalt  }
0x86: {  	_ =	shalt  }
0x87: {  	_ =	shalt  }
.Lfunc_end0:
.L_simem_size_0:
called_computation_lowered:
.L_overlay_start_0:
0x88: {  	s2 =	sld [smem:$0x3FD9]  }
0x89: {  	s3 =	sld [smem:$0x3FFE];
	_ =	sdelay $0x1  }
0x8a: {  	s1 =	srdreg.scid  }
0x8b: {  	s0 =	sand.u32 $0x1, s1  }
0x8c: {  	s17 =	sshll.u32 s0, $0xA;
	s2 =	sadd.s32 s3, s2  }
0x8d: {  	s2 =	sadd.s32 s2, s17  }
0x8e: {  	[smem:$0x3FC2] =	sst s2  }
0x8f: {  	_ = 	snop  }
0x90: {  	s2 =	sld [smem:$0x3FD0];
	(tm) =	ssettm $0x1  }
0x91: {  	s18 =	sld [smem:$0x3FFB];
	_ =	sdelay $0x3  }
0x92: {  	_ =	strace s18  }
0x93: {  	s3 =	sld [smem:$0x3FFC];
	_ =	sdelay $0x3  }
0x94: {  	_ =	strace s3  }
0x95: {  	s3 =	sld [smem:$0x3FFD];
	_ =	sdelay $0x3  }
0x96: {  	_ =	strace s3  }
0x97: {  	_ =	strace $0x8FFFFFFF  }
0x98: {  	s19 =	sld [smem:$0x3FDB];
	_ =	sdelay $0x1  }
0x99: {  	s4 =	simm.s32 $_scs_section_size  }
0x9a: {  	s5 =	simm.s32 $_size__tile_overlayer_lowered;
	s6 =	simm.s32 $_tile_overlayer_lowered  }
0x9b: {  	s22 =	simm.s32 $0x1BFF;
	s21 =	sshll.u32 s6, $0x1;
	s3 =	sadd.s32 s4, s19  }
0x9c: {  	s7 =	simm.s32 $0x0;
	s20 =	sshll.u32 s5, $0x1;
	s5 =	sadd.s32 s21, s3  }
0x9d: {  	[timem:s7], [sflag:s22] =	dma.local [hbm:s5], s20  }
0x9e: {  	_ =	swait.ge [sflag:s22], s20  }
0x9f: {  	s4 =	ssub.s32 $0x0, s20;
	[sflag:s22] =	ssyncset.done $0x0  }
0xa0: {  	[sflag:s22] =	ssyncadd.s32 s4;
	_ =	sdelay $0x1  }
0xa1: {  	s23 =	simm.s32 $0x1B8B  }
0xa2: {  	_ =	swait.ge [sflag:s23], $0x1  }
0xa3: {  	[sflag:s23] =	ssyncset.done $0x0  }
0xa4: {  	s25 =	simm.s32 $0x1B8E;
	s24 =	sld [smem:$0x3FFE];
	[sflag:s23] =	ssyncadd.s32 $0xFFFFFFFF  }
0xa5: {  	s26 =	simm.s32 $execute0_lowered;
	[smem:$0x3FD2] =	sst s25  }
0xa6: {  	s5 =	sshll.u32 s26, $0x1;
	_ =	strace $0x80000046;
	[dreg:$0x1] =	wrdreg $0xFFFFFFFF  }
0xa7: {  	s28 =	simm.s32 $_size_execute0_lowered;
	s3 =	sadd.s32 s3, s5;
	[dreg:$0x0] =	wrdreg $0x0  }
0xa8: {  	s5 =	sshll.u32 s28, $0x1;
	[dreg:$0x2] =	wrdreg s3  }
0xa9: {  	[dreg:$0x3] =	wrdreg s5  }
0xaa: {  	[dreg:$0x4] =	wrdreg $0xC0  }
0xab: {  	_ =	task [dreg:s7], $0x5FFFF  }
0xac: {  	[dreg:$0x1] =	wrdreg $0xFFFFFFFF  }
0xad: {  	[dreg:$0x0] =	wrdreg $0x60  }
0xae: {  	[dreg:$0x2] =	wrdreg s24  }
0xaf: {  	[dreg:$0x3] =	wrdreg s2  }
0xb0: {  	[dreg:$0x4] =	wrdreg $0xA8000  }
0xb1: {  	[dreg:$0x5] =	wrdreg $0x9  }
0xb2: {  	_ =	task.clear_ibuf [dreg:s7], $0x6FFFF;
	_ =	strace $0x90000046  }
0xb3: {  	s29 =	simm.s32 $0x9;
	_ =	strace $0x80000048  }
0xb4: {  	_ =	swait.ge [sflag:s29], $0x1  }
0xb5: {  	[sflag:s29] =	ssyncadd.s32 $0xFFFFFFFF  }
0xb6: {  	_ =	strace $0x90000048  }
0xb7: {  	_ =	sfence  }
0xb8: {  	s30 =	sld [smem:$0x0];
	_ =	sdelay $0x2  }
0xb9: {  	s31 =	sshll.u32 s1, $0xD;
	s1 =	sshrl.u32 s1, $0x2  }
0xba: {  	s3 =	sand.u32 $0x4000, s31;
	s1 =	sadd.s32 s1, s30  }
0xbb: {  	s0 =	sor.u32 s3, s0;
	s1 =	sshll.u32 s1, $0x11  }
0xbc: {  	s0 =	sor.u32 s1, s0  }
0xbd: {  	s0 =	sadd.s32 $0x8F2B, s0  }
0xbe: {  	[sflag:s0] =	ssyncadd.remote.s32 $0x1  }
0xbf: {  	_ =	sfence.sel $0xFFFF  }
0xc0: {  	[dreg:$0x0] =	wrdreg $0xFFFFFFFF;
	(pc) =	sbr.abs _section_cstart, $3  }
0xc1: {  	[dreg:$0x1] =	wrdreg $0xFFFFFFFF  }
0xc2: {  	_ =	task.clear_ibuf [dreg:s7], $0x2FFFF;
	_ =	strace $0x9FFFFFFF  }
0xc3: {  	(tm) =	ssettm $0x7FFFFFFF  }
tec
execute0_lowered:
.L_overlay_start_1:
0x0: {  	(tag) =	ssettag $0x1  }
0x1: {  	s5 =	rddreg [dreg:$0x0]  }
0x2: {  	s12 =	rddreg [dreg:$0x1]  }
0x3: {  	s2 =	rddreg [dreg:$0x2];
	s0 =	stileid.u32  }
0x4: {  	s3 =	srdreg.scid;
	s1 =	rddreg [dreg:$0x3];
	s17 =	simm.s32 $0x3  }
0x5: {  	s18 =	simm.s32 $0x1400;
	s19 =	simm.s32 $0x80;
	s20 =	simm.s32 $0x6800  }
0x6: {  	s21 =	simm.s32 $0x1;
	s22 =	simm.s32 $0x2;
	s23 =	simm.s32 $0x1380  }
0x7: {  	s24 =	simm.s32 $0x2700;
	s25 =	simm.s32 $0x2780;
	s4 =	smul.u32 $0x278, s0  }
0x8: {  	s6 =	sand.u32 $0x1, s3;
	s3 =	simm.s32 $0x0;
	s13 =	sadd.s32 $0x28400, s5  }
0x9: {  	s7 =	smul.u32 $0x138800, s6;
	[smem:$0x7FF] =	sst s3;
	s9 =	sshll.u32 s6, $0x4  }
0xa: {  	s6 =	ssub.s32 $0x2, s6;
	s4 =	smin.u32 s4, $0x2498;
	s30 =	sor.u32 s0, s9  }
0xb: {  	_ =	strace $0x80000047;
	s31 =	sshrl.u32 s6, $0x1;
	s10 =	smul.u32 $0x2800, s30  }
0xc: {  	s8 =	sshll.u32 s4, $0x7;
	s15 =	ssub.s32 s6, s31;
	s11 =	smul.u32 $0x500, s30  }
0xd: {  	s4 =	sadd.s32 $0xA00, s5;
	s7 =	sadd.s32 s7, s8;
	s15 =	smax.u32 s15, $0x1  }
0xe: {  	s7 =	sshrl.u32 s7, $0x3;
	s16 =	sshrl.u32 s10, $0x3;
	s10 =	sadd.s32 s12, s11  }
0xf: {  	s11 =	sadd.s32 s13, s11;
	s14 =	sadd.s32 s7, s5;
	s5 =	sadd.s32 s8, s2  }
0x10: {  	s16 =	sadd.s32 $0x280, s16;
	s6 =	sadd.s32 $0x4000, s5;
	s7 =	sadd.s32 $0x8000, s5  }
0x11: {  	s8 =	sadd.s32 $0xC000, s5;
	s9 =	sadd.s32 $0x10000, s5;
	s12 =	sadd.s32 s12, s16  }
0x12: {  	v0 =	vimm.f32 $0.0e+00;
	s13 =	sadd.s32 s13, s16;
	s14 =	sadd.s32 $0x32400, s14;
	s16 =	simm.s32 $0x2800  }
.LBB2_1:
0x13: {  	s26 =	simm.s32 $0x0;
	s28 =	simm.s32 $0x200  }
.LBB2_2:
0x14: {  	p0 =	sne.s32 s28, $0xFE00;
	[tilespmem:s26+$0x2870] =	vst v0  }
0x15: {  	[tilespmem:s26+$0x2800] =	vst v0  }
0x16: {  	[tilespmem:s26+$0x2810] =	vst v0  }
.Ltmp0:
0x17: {  	[tilespmem:s26+$0x2820] =	vst v0;
	(pc) =	sbr.rel @p0 .LBB2_2-.Ltmp0, $4  }
0x18: {  	[tilespmem:s26+$0x2830] =	vst v0  }
0x19: {  	[tilespmem:s26+$0x2840] =	vst v0  }
0x1a: {  	[tilespmem:s26+$0x2850] =	vst v0  }
0x1b: {  	[tilespmem:s26+$0x2860] =	vst v0;
	s26 =	sshra.s32 s28, $0x2;
	s28 =	sadd.s32 $0x200, s28  }
0x1c: {  	[tilespmem:s26+$0x2870] =	vst v0  }
0x1d: {  	[tilespmem:s26+$0x2800] =	vst v0  }
0x1e: {  	[tilespmem:s26+$0x2810] =	vst v0  }
0x1f: {  	[tilespmem:s26+$0x2820] =	vst v0  }
0x20: {  	[tilespmem:s26+$0x2830] =	vst v0  }
0x21: {  	[tilespmem:s26+$0x2840] =	vst v0  }
0x22: {  	[tilespmem:s26+$0x2850] =	vst v0  }
0x23: {  	[tilespmem:s26+$0x2860] =	vst v0  }
0x24: {  	[spmem:s5] =	stream.linear.scatter [tilespmem:s16], [sflag:$0x3], $0x4000, $0x38;
	[tilespmem:$0x1E080] =	vst v63  }
0x25: {  	_ =	swait.ge [sflag:s17], $0x4000  }
0x26: {  	[sflag:s17] =	ssyncset.done $0x0  }
0x27: {  	[sflag:s17] =	ssyncadd.s32 $0xFFFFC000  }
0x28: {  	[spmem:s6] =	stream.linear.scatter [tilespmem:s16], [sflag:$0x3], $0x4000, $0x38;
	[tilespmem:$0x1E080] =	vst v63  }
0x29: {  	_ =	swait.ge [sflag:s17], $0x4000  }
0x2a: {  	[sflag:s17] =	ssyncset.done $0x0  }
0x2b: {  	[sflag:s17] =	ssyncadd.s32 $0xFFFFC000  }
0x2c: {  	[spmem:s7] =	stream.linear.scatter [tilespmem:s16], [sflag:$0x3], $0x4000, $0x38;
	[tilespmem:$0x1E080] =	vst v63  }
0x2d: {  	_ =	swait.ge [sflag:s17], $0x4000  }
0x2e: {  	[sflag:s17] =	ssyncset.done $0x0  }
0x2f: {  	[sflag:s17] =	ssyncadd.s32 $0xFFFFC000  }
0x30: {  	[spmem:s8] =	stream.linear.scatter [tilespmem:s16], [sflag:$0x3], $0x4000, $0x38;
	[tilespmem:$0x1E080] =	vst v63  }
0x31: {  	_ =	swait.ge [sflag:s17], $0x4000  }
0x32: {  	[sflag:s17] =	ssyncset.done $0x0  }
0x33: {  	[sflag:s17] =	ssyncadd.s32 $0xFFFFC000  }
0x34: {  	[spmem:s9] =	stream.linear.scatter [tilespmem:s16], [sflag:$0x3], $0x3C00, $0x38;
	[tilespmem:$0x1E080] =	vst v63  }
0x35: {  	_ =	swait.ge [sflag:s17], $0x3C00  }
0x36: {  	[sflag:s17] =	ssyncset.done $0x0  }
0x37: {  	[sflag:s17] =	ssyncadd.s32 $0xFFFFC400  }
0x38: {  	s30 =	simm.s32 $0x0;
	[bflag:$0x0] =	sbarrier.arrive $0xFFFF  }
0x39: {  	[tilespmem:s30], [sflag:$0x3] =	stream.linear.gather [hbm4b:s10+s30], $0x1400, $0x38;
	[tilespmem:$0x1E080] =	vst v63  }
0x3a: {  	_ =	swait.ge [sflag:s17], $0x1400  }
0x3b: {  	[sflag:s17] =	ssyncset.done $0x0  }
0x3c: {  	[sflag:s17] =	ssyncadd.s32 $0xFFFFEC00  }
0x3d: {  	[tilespmem:s18], [sflag:$0x3] =	stream.linear.gather [hbm4b:s11+s30], $0x1400, $0x38;
	[tilespmem:$0x1E080] =	vst v63  }
0x3e: {  	_ =	swait.ge [sflag:s17], $0x1400  }
0x3f: {  	[sflag:s17] =	ssyncset.done $0x0  }
0x40: {  	[sflag:s17] =	ssyncadd.s32 $0xFFFFEC00  }
0x41: {  	[tilespmem:s16], [sflag:$0x1] =	stream.indirect.gather [hbm4b:s4+s19], $0x80, s30, s19, $0xb8;
	[tilespmem:$0x1E080] =	vst v63  }
0x42: {  	s31 =	simm.s32 $0x80  }
0x43: {  	[tilespmem:s20], [sflag:$0x2] =	stream.indirect.gather [hbm4b:s4+s19], $0x80, s31, s19, $0xb8;
	[tilespmem:$0x1E080] =	vst v63  }
0x44: {  	_ =	swait.ge [sflag:s21], $0x4000  }
0x45: {  	[sflag:s21] =	ssyncset.done $0x0  }
0x46: {  	s29 =	simm.s32 $0x1400;
	[sflag:s21] =	ssyncadd.s32 $0xFFFFC000  }
0x47: {  	[spmem:s2] =	stream.indirect.scatter.add.f32 [tilespmem:s16], [sflag:$0x3], $0x80, s29, s19, $0xb8;
	[tilespmem:$0x1E080] =	vst v63  }
0x48: {  	_ =	swait.ge [sflag:s17], $0x4000  }
0x49: {  	[sflag:s17] =	ssyncset.done $0x0  }
0x4a: {  	s30 =	simm.s32 $0x100;
	[sflag:s17] =	ssyncadd.s32 $0xFFFFC000  }
0x4b: {  	[tilespmem:s16], [sflag:$0x1] =	stream.indirect.gather [hbm4b:s4+s19], $0x80, s30, s19, $0xb8;
	[tilespmem:$0x1E080] =	vst v63  }
0x4c: {  	_ =	swait.ge [sflag:s22], $0x4000  }
0x4d: {  	[sflag:s22] =	ssyncset.done $0x0  }
0x4e: {  	s31 =	simm.s32 $0x1480;
	[sflag:s22] =	ssyncadd.s32 $0xFFFFC000  }
0x4f: {  	[spmem:s2] =	stream.indirect.scatter.add.f32 [tilespmem:s20], [sflag:$0x3], $0x80, s31, s19, $0xb8;
	[tilespmem:$0x1E080] =	vst v63  }
0x50: {  	_ =	swait.ge [sflag:s17], $0x4000  }
0x51: {  	s28 =	simm.s32 $0x800;
	s26 =	simm.s32 $0x100;
	[sflag:s17] =	ssyncset.done $0x0  }
.LBB2_4:
0x52: {  	s29 =	sadd.s32 $0x80, s26  }
0x53: {  	[sflag:s17] =	ssyncadd.s32 $0xFFFFC000;
	s30 =	smov.u32 s28;
	s31 =	sadd.s32 $0x400, s28  }
0x54: {  	[tilespmem:s20], [sflag:$0x2] =	stream.indirect.gather [hbm4b:s4+s19], $0x80, s29, s19, $0xb8;
	[tilespmem:$0x1E080] =	vst v63  }
0x55: {  	p0 =	sne.s32 s28, $0x4800;
	_ =	swait.ge [sflag:s21], $0x4000  }
0x56: {  	[sflag:s21] =	ssyncset.done $0x0  }
0x57: {  	s28 =	sadd.s32 $0x1400, s26;
	[sflag:s21] =	ssyncadd.s32 $0xFFFFC000  }
0x58: {  	[spmem:s2] =	stream.indirect.scatter.add.f32 [tilespmem:s16], [sflag:$0x3], $0x80, s28, s19, $0xb8;
	[tilespmem:$0x1E080] =	vst v63  }
0x59: {  	_ =	swait.ge [sflag:s17], $0x4000  }
0x5a: {  	[sflag:s17] =	ssyncset.done $0x0  }
0x5b: {  	s28 =	sadd.s32 $0x100, s26;
	[sflag:s17] =	ssyncadd.s32 $0xFFFFC000  }
0x5c: {  	[tilespmem:s16], [sflag:$0x1] =	stream.indirect.gather [hbm4b:s4+s19], $0x80, s28, s19, $0xb8;
	[tilespmem:$0x1E080] =	vst v63  }
0x5d: {  	_ =	swait.ge [sflag:s22], $0x4000  }
.Ltmp1:
0x5e: {  	[sflag:s22] =	ssyncset.done $0x0;
	(pc) =	sbr.rel @p0 .LBB2_4-.Ltmp1, $4  }
0x5f: {  	s26 =	sadd.s32 $0x1480, s26;
	[sflag:s22] =	ssyncadd.s32 $0xFFFFC000  }
0x60: {  	[spmem:s2] =	stream.indirect.scatter.add.f32 [tilespmem:s20], [sflag:$0x3], $0x80, s26, s19, $0xb8;
	[tilespmem:$0x1E080] =	vst v63  }
0x61: {  	_ =	swait.ge [sflag:s17], $0x4000  }
0x62: {  	s28 =	smov.u32 s31;
	s26 =	sshra.s32 s30, $0x2;
	[sflag:s17] =	ssyncset.done $0x0  }
0x63: {  	s28 =	sadd.s32 $0x80, s26;
	[sflag:s17] =	ssyncadd.s32 $0xFFFFC000  }
0x64: {  	[tilespmem:s20], [sflag:$0x2] =	stream.indirect.gather [hbm4b:s4+s19], $0x80, s28, s19, $0xb8;
	[tilespmem:$0x1E080] =	vst v63  }
0x65: {  	_ =	swait.ge [sflag:s21], $0x4000  }
0x66: {  	[sflag:s21] =	ssyncset.done $0x0  }
0x67: {  	s28 =	sadd.s32 $0x1400, s26;
	[sflag:s21] =	ssyncadd.s32 $0xFFFFC000  }
0x68: {  	[spmem:s2] =	stream.indirect.scatter.add.f32 [tilespmem:s16], [sflag:$0x3], $0x80, s28, s19, $0xb8;
	[tilespmem:$0x1E080] =	vst v63  }
0x69: {  	_ =	swait.ge [sflag:s17], $0x4000  }
0x6a: {  	[sflag:s17] =	ssyncset.done $0x0  }
0x6b: {  	s28 =	sadd.s32 $0x100, s26;
	[sflag:s17] =	ssyncadd.s32 $0xFFFFC000  }
0x6c: {  	[tilespmem:s16], [sflag:$0x1] =	stream.indirect.gather [hbm4b:s4+s19], $0x80, s28, s19, $0xb8;
	[tilespmem:$0x1E080] =	vst v63  }
0x6d: {  	_ =	swait.ge [sflag:s22], $0x4000  }
0x6e: {  	[sflag:s22] =	ssyncset.done $0x0  }
0x6f: {  	s29 =	sadd.s32 $0x1480, s26;
	[sflag:s22] =	ssyncadd.s32 $0xFFFFC000  }
0x70: {  	[spmem:s2] =	stream.indirect.scatter.add.f32 [tilespmem:s20], [sflag:$0x3], $0x80, s29, s19, $0xb8;
	[tilespmem:$0x1E080] =	vst v63  }
0x71: {  	_ =	swait.ge [sflag:s17], $0x4000  }
0x72: {  	[sflag:s17] =	ssyncset.done $0x0  }
0x73: {  	[sflag:s17] =	ssyncadd.s32 $0xFFFFC000  }
0x74: {  	[tilespmem:s20], [sflag:$0x2] =	stream.indirect.gather [hbm4b:s4+s19], $0x80, s23, s19, $0xb8;
	[tilespmem:$0x1E080] =	vst v63  }
0x75: {  	_ =	swait.ge [sflag:s21], $0x4000  }
0x76: {  	[sflag:s21] =	ssyncset.done $0x0  }
0x77: {  	[sflag:s21] =	ssyncadd.s32 $0xFFFFC000  }
0x78: {  	[spmem:s2] =	stream.indirect.scatter.add.f32 [tilespmem:s16], [sflag:$0x3], $0x80, s24, s19, $0xb8;
	[tilespmem:$0x1E080] =	vst v63  }
0x79: {  	_ =	swait.ge [sflag:s17], $0x4000  }
0x7a: {  	[sflag:s17] =	ssyncset.done $0x0  }
0x7b: {  	[sflag:s17] =	ssyncadd.s32 $0xFFFFC000  }
0x7c: {  	_ =	swait.ge [sflag:s22], $0x4000  }
0x7d: {  	[sflag:s22] =	ssyncset.done $0x0  }
0x7e: {  	[sflag:s22] =	ssyncadd.s32 $0xFFFFC000  }
0x7f: {  	[spmem:s2] =	stream.indirect.scatter.add.f32 [tilespmem:s20], [sflag:$0x3], $0x80, s25, s19, $0xb8;
	[tilespmem:$0x1E080] =	vst v63  }
0x80: {  	_ =	swait.ge [sflag:s17], $0x4000  }
0x81: {  	[sflag:s17] =	ssyncset.done $0x0  }
0x82: {  	s30 =	simm.s32 $0x0;
	[sflag:s17] =	ssyncadd.s32 $0xFFFFC000  }
0x83: {  	[tilespmem:s30], [sflag:$0x3] =	stream.linear.gather [hbm4b:s12+s30], $0x1400, $0x38;
	[tilespmem:$0x1E080] =	vst v63  }
0x84: {  	_ =	swait.ge [sflag:s17], $0x1400  }
0x85: {  	[sflag:s17] =	ssyncset.done $0x0  }
0x86: {  	[sflag:s17] =	ssyncadd.s32 $0xFFFFEC00  }
0x87: {  	[tilespmem:s18], [sflag:$0x3] =	stream.linear.gather [hbm4b:s13+s30], $0x1400, $0x38;
	[tilespmem:$0x1E080] =	vst v63  }
0x88: {  	_ =	swait.ge [sflag:s17], $0x1400  }
0x89: {  	[sflag:s17] =	ssyncset.done $0x0  }
0x8a: {  	[sflag:s17] =	ssyncadd.s32 $0xFFFFEC00  }
0x8b: {  	[tilespmem:s16], [sflag:$0x1] =	stream.indirect.gather [hbm4b:s4+s19], $0x80, s30, s19, $0xb8;
	[tilespmem:$0x1E080] =	vst v63  }
0x8c: {  	s31 =	simm.s32 $0x80  }
0x8d: {  	[tilespmem:s20], [sflag:$0x2] =	stream.indirect.gather [hbm4b:s4+s19], $0x80, s31, s19, $0xb8;
	[tilespmem:$0x1E080] =	vst v63  }
0x8e: {  	_ =	swait.ge [sflag:s21], $0x4000  }
0x8f: {  	[sflag:s21] =	ssyncset.done $0x0  }
0x90: {  	s29 =	simm.s32 $0x1400;
	[sflag:s21] =	ssyncadd.s32 $0xFFFFC000  }
0x91: {  	[spmem:s2] =	stream.indirect.scatter.add.f32 [tilespmem:s16], [sflag:$0x3], $0x80, s29, s19, $0xb8;
	[tilespmem:$0x1E080] =	vst v63  }
0x92: {  	_ =	swait.ge [sflag:s17], $0x4000  }
0x93: {  	[sflag:s17] =	ssyncset.done $0x0  }
0x94: {  	s30 =	simm.s32 $0x100;
	[sflag:s17] =	ssyncadd.s32 $0xFFFFC000  }
0x95: {  	[tilespmem:s16], [sflag:$0x1] =	stream.indirect.gather [hbm4b:s4+s19], $0x80, s30, s19, $0xb8;
	[tilespmem:$0x1E080] =	vst v63  }
0x96: {  	_ =	swait.ge [sflag:s22], $0x4000  }
0x97: {  	[sflag:s22] =	ssyncset.done $0x0  }
0x98: {  	s31 =	simm.s32 $0x1480;
	[sflag:s22] =	ssyncadd.s32 $0xFFFFC000  }
0x99: {  	[spmem:s2] =	stream.indirect.scatter.add.f32 [tilespmem:s20], [sflag:$0x3], $0x80, s31, s19, $0xb8;
	[tilespmem:$0x1E080] =	vst v63  }
0x9a: {  	_ =	swait.ge [sflag:s17], $0x4000  }
0x9b: {  	s26 =	simm.s32 $0x100;
	s28 =	simm.s32 $0x800;
	[sflag:s17] =	ssyncset.done $0x0  }
.LBB2_6:
0x9c: {  	s29 =	sadd.s32 $0x80, s26  }
0x9d: {  	[sflag:s17] =	ssyncadd.s32 $0xFFFFC000;
	s30 =	smov.u32 s28;
	s31 =	sadd.s32 $0x400, s28  }
0x9e: {  	[tilespmem:s20], [sflag:$0x2] =	stream.indirect.gather [hbm4b:s4+s19], $0x80, s29, s19, $0xb8;
	[tilespmem:$0x1E080] =	vst v63  }
0x9f: {  	p0 =	sne.s32 s28, $0x4800;
	_ =	swait.ge [sflag:s21], $0x4000  }
0xa0: {  	[sflag:s21] =	ssyncset.done $0x0  }
0xa1: {  	s28 =	sadd.s32 $0x1400, s26;
	[sflag:s21] =	ssyncadd.s32 $0xFFFFC000  }
0xa2: {  	[spmem:s2] =	stream.indirect.scatter.add.f32 [tilespmem:s16], [sflag:$0x3], $0x80, s28, s19, $0xb8;
	[tilespmem:$0x1E080] =	vst v63  }
0xa3: {  	_ =	swait.ge [sflag:s17], $0x4000  }
0xa4: {  	[sflag:s17] =	ssyncset.done $0x0  }
0xa5: {  	s28 =	sadd.s32 $0x100, s26;
	[sflag:s17] =	ssyncadd.s32 $0xFFFFC000  }
0xa6: {  	[tilespmem:s16], [sflag:$0x1] =	stream.indirect.gather [hbm4b:s4+s19], $0x80, s28, s19, $0xb8;
	[tilespmem:$0x1E080] =	vst v63  }
0xa7: {  	_ =	swait.ge [sflag:s22], $0x4000  }
.Ltmp2:
0xa8: {  	[sflag:s22] =	ssyncset.done $0x0;
	(pc) =	sbr.rel @p0 .LBB2_6-.Ltmp2, $4  }
0xa9: {  	s26 =	sadd.s32 $0x1480, s26;
	[sflag:s22] =	ssyncadd.s32 $0xFFFFC000  }
0xaa: {  	[spmem:s2] =	stream.indirect.scatter.add.f32 [tilespmem:s20], [sflag:$0x3], $0x80, s26, s19, $0xb8;
	[tilespmem:$0x1E080] =	vst v63  }
0xab: {  	_ =	swait.ge [sflag:s17], $0x4000  }
0xac: {  	s28 =	smov.u32 s31;
	s26 =	sshra.s32 s30, $0x2;
	[sflag:s17] =	ssyncset.done $0x0  }
0xad: {  	s28 =	sadd.s32 $0x80, s26;
	[sflag:s17] =	ssyncadd.s32 $0xFFFFC000  }
0xae: {  	[tilespmem:s20], [sflag:$0x2] =	stream.indirect.gather [hbm4b:s4+s19], $0x80, s28, s19, $0xb8;
	[tilespmem:$0x1E080] =	vst v63  }
0xaf: {  	_ =	swait.ge [sflag:s21], $0x4000  }
0xb0: {  	[sflag:s21] =	ssyncset.done $0x0  }
0xb1: {  	s30 =	sadd.s32 $0x1400, s26;
	[sflag:s21] =	ssyncadd.s32 $0xFFFFC000  }
0xb2: {  	[spmem:s2] =	stream.indirect.scatter.add.f32 [tilespmem:s16], [sflag:$0x3], $0x80, s30, s19, $0xb8;
	[tilespmem:$0x1E080] =	vst v63  }
0xb3: {  	_ =	swait.ge [sflag:s17], $0x4000  }
0xb4: {  	[sflag:s17] =	ssyncset.done $0x0  }
0xb5: {  	s31 =	sadd.s32 $0x100, s26;
	[sflag:s17] =	ssyncadd.s32 $0xFFFFC000  }
0xb6: {  	[tilespmem:s16], [sflag:$0x1] =	stream.indirect.gather [hbm4b:s4+s19], $0x80, s31, s19, $0xb8;
	[tilespmem:$0x1E080] =	vst v63  }
0xb7: {  	_ =	swait.ge [sflag:s22], $0x4000  }
0xb8: {  	[sflag:s22] =	ssyncset.done $0x0  }
0xb9: {  	s29 =	sadd.s32 $0x1480, s26;
	[sflag:s22] =	ssyncadd.s32 $0xFFFFC000  }
0xba: {  	[spmem:s2] =	stream.indirect.scatter.add.f32 [tilespmem:s20], [sflag:$0x3], $0x80, s29, s19, $0xb8;
	[tilespmem:$0x1E080] =	vst v63  }
0xbb: {  	_ =	swait.ge [sflag:s17], $0x4000  }
0xbc: {  	[sflag:s17] =	ssyncset.done $0x0  }
0xbd: {  	[sflag:s17] =	ssyncadd.s32 $0xFFFFC000  }
0xbe: {  	[tilespmem:s20], [sflag:$0x2] =	stream.indirect.gather [hbm4b:s4+s19], $0x80, s23, s19, $0xb8;
	[tilespmem:$0x1E080] =	vst v63  }
0xbf: {  	_ =	swait.ge [sflag:s21], $0x4000  }
0xc0: {  	[sflag:s21] =	ssyncset.done $0x0  }
0xc1: {  	[sflag:s21] =	ssyncadd.s32 $0xFFFFC000  }
0xc2: {  	[spmem:s2] =	stream.indirect.scatter.add.f32 [tilespmem:s16], [sflag:$0x3], $0x80, s24, s19, $0xb8;
	[tilespmem:$0x1E080] =	vst v63  }
0xc3: {  	_ =	swait.ge [sflag:s17], $0x4000  }
0xc4: {  	[sflag:s17] =	ssyncset.done $0x0  }
0xc5: {  	[sflag:s17] =	ssyncadd.s32 $0xFFFFC000  }
0xc6: {  	_ =	swait.ge [sflag:s22], $0x4000  }
0xc7: {  	[sflag:s22] =	ssyncset.done $0x0  }
0xc8: {  	[sflag:s22] =	ssyncadd.s32 $0xFFFFC000  }
0xc9: {  	[spmem:s2] =	stream.indirect.scatter.add.f32 [tilespmem:s20], [sflag:$0x3], $0x80, s25, s19, $0xb8;
	[tilespmem:$0x1E080] =	vst v63  }
0xca: {  	_ =	swait.ge [sflag:s17], $0x4000  }
0xcb: {  	s3 =	sadd.s32 $0x1, s3;
	s30 =	sshll.u32 s0, $0x6;
	[sflag:s17] =	ssyncset.done $0x0  }
0xcc: {  	p0 =	sne.s32 s3, s15;
	s26 =	sor.u32 $0x1C03, s30;
	[sflag:s17] =	ssyncadd.s32 $0xFFFFC000  }
.Ltmp3:
0xcd: {  	s31 =	sshrl.u32 s5, $0x3;
	[bflag:$0x0] =	sbarrier.arrive $0xFFFF;
	(pc) =	sbr.rel @p0 .LBB2_1-.Ltmp3, $4  }
0xce: {  	[hbm:s14], [sflag:s26] =	dma.local [spmem:s31], $0x2780  }
0xcf: {  	_ =	swait.ge [sflag:s17], $0x2780  }
0xd0: {  	[sflag:s17] =	ssyncset.done $0x0  }
0xd1: {  	[sflag:s17] =	ssyncadd.s32 $0xFFFFD880  }
0xd2: {  	_ =	sfence.sel $0x180000  }
0xd3: {  	[bflag:$0x0] =	sbarrier.arrive $0xFFFF  }
0xd4: {  	p0 =	sne.s32 s0, $0x0;
	_ =	strace $0x90000047  }
0xd5: {  	s0 =	sadd.s32 @!p0 $0x100000, s1;
	[bflag:$0x2] =	sbarrier.arrive $0xFFFF  }
0xd6: {  	[sflag:s0] =	ssyncadd.tile.s32 @!p0 $0x1;
	_ =	shalt  }
.Lfunc_end2:
_tile_overlayer_lowered:
.L_overlay_start_2:
0xd7: {  	(tag) =	ssettag $0x2  }
0xd8: {  	s0 =	rddreg [dreg:$0x0];
	s2 =	stileid.u32  }
0xd9: {  	s1 =	rddreg [dreg:$0x1];
	p0 =	sne.s32 s2, $0x0  }
0xda: {  	s3 =	rddreg [dreg:$0x2];
	[bflag:$0x3] =	sbarrier.arrive $0xFFFF;
	s2 =	simm.s32 @!p0 $0x1C03  }
0xdb: {  	[timem:s3], [sflag:s2] =	dma.local @!p0 [hbm:s0], s1  }
0xdc: {  	s0 =	simm.s32 @!p0 $0x3  }
0xdd: {  	_ =	swait.ge @!p0 [sflag:s0], s1  }
0xde: {  	s1 =	ssub.s32 @!p0 $0x0, s1;
	[sflag:s0] =	ssyncset.done @!p0 $0x0  }
0xdf: {  	[sflag:s0] =	ssyncadd.s32 @!p0 s1  }
0xe0: {  	[bflag:$0x3] =	sbarrier.arrive $0xFFFF  }
0xe1: {  	_ =	shalt  }

</sc_bundles>
